<compile_context>
chip_gen: v7x
topology: tpu7x:2x2x1
jax: 0.10.2.dev20260603
libtpu: 0.0.44.dev20260713+nightly
codegen_flags: <defaults>
</compile_context>

<pallas_src>
import functools

import jax
import jax.numpy as jnp
from jax import lax
from jax.experimental import pallas as pl
from jax.experimental.pallas import tpu as pltpu
from jax.experimental.pallas import tpu_sc as plsc

_NC = 2
_NS = 16
_NW = _NC * _NS
_L = 16


def _build_plane_gather(F, V, D, B):
    n_planes = F * D
    ppw = n_planes // _NW
    qb = B // 4

    mesh = plsc.VectorSubcoreMesh(core_axis_name="c", subcore_axis_name="s")

    @functools.partial(
        pl.kernel,
        mesh=mesh,
        compiler_params=pltpu.CompilerParams(needs_layout_passes=False),
        out_type=jax.ShapeDtypeStruct((n_planes, B), jnp.float32),
        scratch_types=[
            pltpu.VMEM((V,), jnp.float32),
            pltpu.VMEM((B,), jnp.int32),
            pltpu.VMEM((qb,), jnp.float32),
            pltpu.VMEM((qb,), jnp.float32),
            pltpu.SemaphoreType.DMA,
            pltpu.SemaphoreType.DMA,
            pltpu.SemaphoreType.DMA,
        ],
    )
    def plane_kernel(tab_hbm, idx_hbm, out_hbm, plane_v, idx_v,
                     row_a, row_b, osem_a, osem_b, psem):
        wid = lax.axis_index("s") * _NC + lax.axis_index("c")
        r0 = wid * ppw
        rows = (row_a, row_b)
        osems = (osem_a, osem_b)

        pltpu.async_copy(tab_hbm.at[r0 // D, r0 % D, :], plane_v, psem)

        def body(i, f_prev):
            r = r0 + i
            f = r // D

            @pl.when(f != f_prev)
            def _():
                pltpu.sync_copy(idx_hbm.at[pl.ds(f * B, B)], idx_v)

            pltpu.make_async_copy(tab_hbm.at[f, r % D, :], plane_v,
                                  psem).wait()

            writes = [None, None, None, None]
            for q in range(4):
                row_v = rows[q % 2]
                if q >= 2:
                    writes[q - 2].wait()

                U = 16

                def gloop(j, c2, _q=q, _row=row_v):
                    base = j * _L * U
                    ivs = [idx_v[pl.ds(_q * qb + base + k * _L, _L)]
                           for k in range(U)]
                    gs = [plsc.load_gather(plane_v, [iv]) for iv in ivs]
                    for k in range(U):
                        _row[pl.ds(base + k * _L, _L)] = gs[k]
                    return c2

                lax.fori_loop(0, qb // (_L * U), gloop, 0, unroll=False)
                writes[q] = pltpu.async_copy(
                    row_v, out_hbm.at[r, pl.ds(q * qb, qb)], osems[q % 2])

            @pl.when(i + 1 < ppw)
            def _():
                rn = r + 1
                pltpu.async_copy(tab_hbm.at[rn // D, rn % D, :], plane_v,
                                 psem)

            writes[2].wait()
            writes[3].wait()
            return f

        lax.fori_loop(0, ppw, body, jnp.int32(-1), unroll=False)

    return plane_kernel


def kernel(inputs, tables):
    F, V, D = tables.shape
    B = inputs.shape[0]
    tab_t = jnp.transpose(tables, (0, 2, 1))
    idx_f = jnp.transpose(inputs, (1, 0)).reshape(F * B)
    out = _build_plane_gather(F, V, D, B)(tab_t, idx_f.astype(jnp.int32))
    return out.reshape(F, D, B).transpose(2, 0, 1)

# --- scband reference (transcript-rebuilt; emitter-appended) ---
"""Pipeline reference for scband-multi-embedding-1082331758803 (READ-ONLY COPY).

The authoritative reference and input builder live on the scoring server;
editing this copy changes nothing except your own understanding.
"""

import jax, jax.numpy as jnp
import numpy as np

F = 26
V = 100000
D = 32
B = 16384

def setup_inputs(seed: int = 0) -> dict:
    key = jax.random.key(seed)
    k_idx, k_tab = jax.random.split(key)
    inputs = jax.random.randint(k_idx, (B, F), 0, V, dtype=jnp.int64 if jax.config.jax_enable_x64 else jnp.int32)
    # per-table uniform init in [-sqrt(1/n), sqrt(1/n)]; all tables have n=V here
    bound = np.sqrt(1.0 / V)
    tables = jax.random.uniform(k_tab, (F, V, D), minval=-bound, maxval=bound, dtype=jnp.float32)
    return {"inputs": inputs, "tables": tables}

def reference(inputs, tables):
    # Faithful to MultiEmbedding.forward: one embedding lookup per feature column.
    # outputs[i] = tables[i][inputs[:, i]]  -> each [B, D]; stacked to [B, F, D]
    def lookup(table, idx_col):
        return jnp.take(table, idx_col, axis=0)  # [B, D]
    out = jax.vmap(lookup, in_axes=(0, 1), out_axes=1)(tables, inputs)  # [B, F, D]
    return out

if __name__ == "__main__":
    import jax
    _d = setup_inputs()
    print(jax.jit(kernel)(*tuple(_d.values())))

</pallas_src>

<mosaic_0001>
#map = affine_map<(d0, d1) -> (0, 0, 0)>
#map1 = affine_map<(d0, d1) -> (0)>
#map2 = affine_map<(d0, d1) -> (0, 0)>
module attributes {stable_mosaic.version = 14 : i64} {
  func.func @plane_kernel(%arg0: i32, %arg1: i32, %arg2: memref<26x32x100000xf32, #tpu.memory_space<hbm>>, %arg3: memref<425984xi32, #tpu.memory_space<hbm>>, %arg4: memref<832x16384xf32, #tpu.memory_space<hbm>>, %arg5: memref<100000xf32, #tpu.memory_space<vmem>>, %arg6: memref<16384xi32, #tpu.memory_space<vmem>>, %arg7: memref<4096xf32, #tpu.memory_space<vmem>>, %arg8: memref<4096xf32, #tpu.memory_space<vmem>>, %arg9: memref<!tpu.dma_semaphore, #tpu.memory_space<semaphore_mem>>, %arg10: memref<!tpu.dma_semaphore, #tpu.memory_space<semaphore_mem>>, %arg11: memref<!tpu.dma_semaphore, #tpu.memory_space<semaphore_mem>>) attributes {dimension_semantics = [#tpu.dimension_semantics<core_parallel>, #tpu.dimension_semantics<subcore_parallel>], iteration_bounds = array<i64: 2, 16>, scalar_prefetch = 0 : i64, scratch_operands = 7 : i64, tpu.core_type = #tpu.core_type<sc_vector_subcore>, window_params = [{transform_indices = #map}, {transform_indices = #map1}, {transform_indices = #map2}]} {
    %mul3A = arith.constant 2 : i32
    %mul3A_0 = arith.muli %arg1, %mul3A : i32
    %add3A = arith.addi %mul3A_0, %arg0 : i32
    %mul3A_1 = arith.constant 26 : i32
    %mul3A_2 = arith.muli %add3A, %mul3A_1 : i32
    %jit3A = arith.constant 32 : i32
    %div3A = arith.divsi %mul3A_2, %jit3A : i32
    %sign3A = arith.constant 0 : i32
    %sign3A_3 = arith.cmpi sgt, %mul3A_2, %sign3A : i32
    %sign3A_4 = arith.extui %sign3A_3 : i1 to i32
    %sign3A_5 = arith.constant 0 : i32
    %sign3A_6 = arith.cmpi slt, %mul3A_2, %sign3A_5 : i32
    %sign3A_7 = arith.extui %sign3A_6 : i1 to i32
    %sign3A_8 = arith.subi %sign3A_4, %sign3A_7 : i32
    %sign3A_9 = arith.constant 0 : i32
    %sign3A_10 = arith.cmpi sgt, %jit3A, %sign3A_9 : i32
    %sign3A_11 = arith.extui %sign3A_10 : i1 to i32
    %sign3A_12 = arith.constant 0 : i32
    %sign3A_13 = arith.cmpi slt, %jit3A, %sign3A_12 : i32
    %sign3A_14 = arith.extui %sign3A_13 : i1 to i32
    %sign3A_15 = arith.subi %sign3A_11, %sign3A_14 : i32
    %ne3A = arith.cmpi ne, %sign3A_8, %sign3A_15 : i32
    %rem3A = arith.remsi %mul3A_2, %jit3A : i32
    %ne3A_16 = arith.constant 0 : i32
    %ne3A_17 = arith.cmpi ne, %rem3A, %ne3A_16 : i32
    %and3A = arith.andi %ne3A, %ne3A_17 : i1
    %sub3A = arith.constant 1 : i32
    %sub3A_18 = arith.subi %div3A, %sub3A : i32
    %select_n3A = arith.select %and3A, %sub3A_18, %div3A : i32
    %jit3A_19 = arith.constant 32 : i32
    %eq3A = arith.constant 0 : i32
    %eq3A_20 = arith.cmpi eq, %jit3A_19, %eq3A : i32
    %jit3A_21 = arith.constant 1 : i32
    %select_n3A_22 = arith.select %eq3A_20, %jit3A_21, %jit3A_19 : i32
    %rem3A_23 = arith.remsi %mul3A_2, %select_n3A_22 : i32
    %ne3A_24 = arith.constant 0 : i32
    %ne3A_25 = arith.cmpi ne, %rem3A_23, %ne3A_24 : i32
    %lt3A = arith.constant 0 : i32
    %lt3A_26 = arith.cmpi slt, %rem3A_23, %lt3A : i32
    %lt3A_27 = arith.constant 0 : i32
    %lt3A_28 = arith.cmpi slt, %select_n3A_22, %lt3A_27 : i32
    %ne3A_29 = arith.xori %lt3A_26, %lt3A_28 : i1
    %and3A_30 = arith.andi %ne3A_29, %ne3A_25 : i1
    %add3A_31 = arith.addi %rem3A_23, %select_n3A_22 : i32
    %select_n3A_32 = arith.select %and3A_30, %add3A_31, %rem3A_23 : i32
    %dma_start3A = arith.constant 0 : i32
    %dma_start3A_33 = tpu.memref_slice %arg2[%select_n3A, %select_n3A_32, %dma_start3A] : memref<26x32x100000xf32, #tpu.memory_space<hbm>> -> memref<1x1x100000xf32, #tpu.memory_space<hbm>>
    %dma_start3A_34 = tpu.memref_squeeze %dma_start3A_33 : memref<1x1x100000xf32, #tpu.memory_space<hbm>> -> memref<100000xf32, #tpu.memory_space<hbm>>
    %dma_start3A_35 = arith.constant 0 : i32
    %dma_start3A_36 = tpu.memref_slice %arg2[%select_n3A, %select_n3A_32, %dma_start3A_35] : memref<26x32x100000xf32, #tpu.memory_space<hbm>> -> memref<1x1x100000xf32, #tpu.memory_space<hbm>>
    %dma_start3A_37 = tpu.memref_squeeze %dma_start3A_36 : memref<1x1x100000xf32, #tpu.memory_space<hbm>> -> memref<100000xf32, #tpu.memory_space<hbm>>
    tpu.enqueue_dma source(%dma_start3A_37 : memref<100000xf32, #tpu.memory_space<hbm>>) target(%arg5 : memref<100000xf32, #tpu.memory_space<vmem>>) target_semaphore(%arg11 : memref<!tpu.dma_semaphore, #tpu.memory_space<semaphore_mem>>)
    %scan3A = arith.constant -1 : i32
    %scan3A_38 = arith.constant 0 : i32
    %scan3A_39 = arith.constant 26 : i32
    %scan3A_40 = arith.addi %scan3A_38, %scan3A_39 : i32
    %scan3A_41 = arith.constant 1 : i32
    %scan3A_42 = scf.for %scan3A_44 = %scan3A_38 to %scan3A_40 step %scan3A_41 iter_args(%scan3A_45 = %scan3A) -> (i32)  : i32 {
      %add3A_46 = arith.addi %mul3A_2, %scan3A_44 : i32
      %jit3A_47 = arith.constant 32 : i32
      %div3A_48 = arith.divsi %add3A_46, %jit3A_47 : i32
      %sign3A_49 = arith.constant 0 : i32
      %sign3A_50 = arith.cmpi sgt, %add3A_46, %sign3A_49 : i32
      %sign3A_51 = arith.extui %sign3A_50 : i1 to i32
      %sign3A_52 = arith.constant 0 : i32
      %sign3A_53 = arith.cmpi slt, %add3A_46, %sign3A_52 : i32
      %sign3A_54 = arith.extui %sign3A_53 : i1 to i32
      %sign3A_55 = arith.subi %sign3A_51, %sign3A_54 : i32
      %sign3A_56 = arith.constant 0 : i32
      %sign3A_57 = arith.cmpi sgt, %jit3A_47, %sign3A_56 : i32
      %sign3A_58 = arith.extui %sign3A_57 : i1 to i32
      %sign3A_59 = arith.constant 0 : i32
      %sign3A_60 = arith.cmpi slt, %jit3A_47, %sign3A_59 : i32
      %sign3A_61 = arith.extui %sign3A_60 : i1 to i32
      %sign3A_62 = arith.subi %sign3A_58, %sign3A_61 : i32
      %ne3A_63 = arith.cmpi ne, %sign3A_55, %sign3A_62 : i32
      %rem3A_64 = arith.remsi %add3A_46, %jit3A_47 : i32
      %ne3A_65 = arith.constant 0 : i32
      %ne3A_66 = arith.cmpi ne, %rem3A_64, %ne3A_65 : i32
      %and3A_67 = arith.andi %ne3A_63, %ne3A_66 : i1
      %sub3A_68 = arith.constant 1 : i32
      %sub3A_69 = arith.subi %div3A_48, %sub3A_68 : i32
      %select_n3A_70 = arith.select %and3A_67, %sub3A_69, %div3A_48 : i32
      %ne3A_71 = arith.cmpi ne, %select_n3A_70, %scan3A_45 : i32
      %convert_element_type3A = arith.extui %ne3A_71 : i1 to i32
      %cond3A = arith.constant 0 : i32
      %cond3A_72 = arith.cmpi ne, %convert_element_type3A, %cond3A : i32
      scf.if %cond3A_72 {
        %mul3A_173 = arith.constant 16384 : i32
        %mul3A_174 = arith.muli %select_n3A_70, %mul3A_173 : i32
        "tpu.region"() ({
          %run_scoped3A = tpu.sem_alloc : memref<!tpu.dma_semaphore, #tpu.memory_space<semaphore_mem>>
          %dma_start3A_175 = tpu.memref_slice %arg3[%mul3A_174] : memref<425984xi32, #tpu.memory_space<hbm>> -> memref<16384xi32, #tpu.memory_space<hbm>>
          %dma_start3A_176 = tpu.memref_slice %arg3[%mul3A_174] : memref<425984xi32, #tpu.memory_space<hbm>> -> memref<16384xi32, #tpu.memory_space<hbm>>
          tpu.enqueue_dma source(%dma_start3A_176 : memref<16384xi32, #tpu.memory_space<hbm>>) target(%arg6 : memref<16384xi32, #tpu.memory_space<vmem>>) target_semaphore(%run_scoped3A : memref<!tpu.dma_semaphore, #tpu.memory_space<semaphore_mem>>)
          %dma_wait3A_177 = tpu.memref_slice %arg3[%mul3A_174] : memref<425984xi32, #tpu.memory_space<hbm>> -> memref<16384xi32, #tpu.memory_space<hbm>>
          %dma_wait3A_178 = tpu.memref_slice %arg3[%mul3A_174] : memref<425984xi32, #tpu.memory_space<hbm>> -> memref<16384xi32, #tpu.memory_space<hbm>>
          tpu.wait_dma2 semaphore(%run_scoped3A : memref<!tpu.dma_semaphore, #tpu.memory_space<semaphore_mem>>) src(%dma_wait3A_178 : memref<16384xi32, #tpu.memory_space<hbm>>) dst(%arg6 : memref<16384xi32, #tpu.memory_space<vmem>>)
          tpu.yield
        }) : () -> ()
      } else {
      }
      %jit3A_73 = arith.constant 32 : i32
      %eq3A_74 = arith.constant 0 : i32
      %eq3A_75 = arith.cmpi eq, %jit3A_73, %eq3A_74 : i32
      %jit3A_76 = arith.constant 1 : i32
      %select_n3A_77 = arith.select %eq3A_75, %jit3A_76, %jit3A_73 : i32
      %rem3A_78 = arith.remsi %add3A_46, %select_n3A_77 : i32
      %ne3A_79 = arith.constant 0 : i32
      %ne3A_80 = arith.cmpi ne, %rem3A_78, %ne3A_79 : i32
      %lt3A_81 = arith.constant 0 : i32
      %lt3A_82 = arith.cmpi slt, %rem3A_78, %lt3A_81 : i32
      %lt3A_83 = arith.constant 0 : i32
      %lt3A_84 = arith.cmpi slt, %select_n3A_77, %lt3A_83 : i32
      %ne3A_85 = arith.xori %lt3A_82, %lt3A_84 : i1
      %and3A_86 = arith.andi %ne3A_85, %ne3A_80 : i1
      %add3A_87 = arith.addi %rem3A_78, %select_n3A_77 : i32
      %select_n3A_88 = arith.select %and3A_86, %add3A_87, %rem3A_78 : i32
      %dma_wait3A = arith.constant 0 : i32
      %dma_wait3A_89 = tpu.memref_slice %arg2[%select_n3A_70, %select_n3A_88, %dma_wait3A] : memref<26x32x100000xf32, #tpu.memory_space<hbm>> -> memref<1x1x100000xf32, #tpu.memory_space<hbm>>
      %dma_wait3A_90 = tpu.memref_squeeze %dma_wait3A_89 : memref<1x1x100000xf32, #tpu.memory_space<hbm>> -> memref<100000xf32, #tpu.memory_space<hbm>>
      %dma_wait3A_91 = arith.constant 0 : i32
      %dma_wait3A_92 = tpu.memref_slice %arg2[%select_n3A_70, %select_n3A_88, %dma_wait3A_91] : memref<26x32x100000xf32, #tpu.memory_space<hbm>> -> memref<1x1x100000xf32, #tpu.memory_space<hbm>>
      %dma_wait3A_93 = tpu.memref_squeeze %dma_wait3A_92 : memref<1x1x100000xf32, #tpu.memory_space<hbm>> -> memref<100000xf32, #tpu.memory_space<hbm>>
      tpu.wait_dma2 semaphore(%arg11 : memref<!tpu.dma_semaphore, #tpu.memory_space<semaphore_mem>>) src(%dma_wait3A_93 : memref<100000xf32, #tpu.memory_space<hbm>>) dst(%arg5 : memref<100000xf32, #tpu.memory_space<vmem>>)
      %scan3A_94 = arith.constant 0 : i32
      %scan3A_95 = arith.constant 0 : i32
      %scan3A_96 = arith.constant 16 : i32
      %scan3A_97 = arith.addi %scan3A_95, %scan3A_96 : i32
      %scan3A_98 = arith.constant 1 : i32
      scf.for %scan3A_173 = %scan3A_95 to %scan3A_97 step %scan3A_98  : i32 {
        %mul3A_174 = arith.constant 16 : i32
        %mul3A_175 = arith.muli %scan3A_173, %mul3A_174 : i32
        %mul3A_176 = arith.constant 16 : i32
        %mul3A_177 = arith.muli %mul3A_175, %mul3A_176 : i32
        %add3A_178 = arith.constant 0 : i32
        %add3A_179 = arith.addi %add3A_178, %mul3A_177 : i32
        %add3A_180 = arith.constant 0 : i32
        %add3A_181 = arith.addi %add3A_179, %add3A_180 : i32
        %get3A = arith.index_cast %add3A_181 : i32 to index
        %get3A_182 = tpu.vector_load %arg6[%get3A] {strides = array<i32>} : memref<16384xi32, #tpu.memory_space<vmem>>, vector<16xi32>,
        %add3A_183 = arith.constant 0 : i32
        %add3A_184 = arith.addi %add3A_183, %mul3A_177 : i32
        %add3A_185 = arith.constant 16 : i32
        %add3A_186 = arith.addi %add3A_184, %add3A_185 : i32
        %get3A_187 = arith.index_cast %add3A_186 : i32 to index
        %get3A_188 = tpu.vector_load %arg6[%get3A_187] {strides = array<i32>} : memref<16384xi32, #tpu.memory_space<vmem>>, vector<16xi32>,
        %add3A_189 = arith.constant 0 : i32
        %add3A_190 = arith.addi %add3A_189, %mul3A_177 : i32
        %add3A_191 = arith.constant 32 : i32
        %add3A_192 = arith.addi %add3A_190, %add3A_191 : i32
        %get3A_193 = arith.index_cast %add3A_192 : i32 to index
        %get3A_194 = tpu.vector_load %arg6[%get3A_193] {strides = array<i32>} : memref<16384xi32, #tpu.memory_space<vmem>>, vector<16xi32>,
        %add3A_195 = arith.constant 0 : i32
        %add3A_196 = arith.addi %add3A_195, %mul3A_177 : i32
        %add3A_197 = arith.constant 48 : i32
        %add3A_198 = arith.addi %add3A_196, %add3A_197 : i32
        %get3A_199 = arith.index_cast %add3A_198 : i32 to index
        %get3A_200 = tpu.vector_load %arg6[%get3A_199] {strides = array<i32>} : memref<16384xi32, #tpu.memory_space<vmem>>, vector<16xi32>,
        %add3A_201 = arith.constant 0 : i32
        %add3A_202 = arith.addi %add3A_201, %mul3A_177 : i32
        %add3A_203 = arith.constant 64 : i32
        %add3A_204 = arith.addi %add3A_202, %add3A_203 : i32
        %get3A_205 = arith.index_cast %add3A_204 : i32 to index
        %get3A_206 = tpu.vector_load %arg6[%get3A_205] {strides = array<i32>} : memref<16384xi32, #tpu.memory_space<vmem>>, vector<16xi32>,
        %add3A_207 = arith.constant 0 : i32
        %add3A_208 = arith.addi %add3A_207, %mul3A_177 : i32
        %add3A_209 = arith.constant 80 : i32
        %add3A_210 = arith.addi %add3A_208, %add3A_209 : i32
        %get3A_211 = arith.index_cast %add3A_210 : i32 to index
        %get3A_212 = tpu.vector_load %arg6[%get3A_211] {strides = array<i32>} : memref<16384xi32, #tpu.memory_space<vmem>>, vector<16xi32>,
        %add3A_213 = arith.constant 0 : i32
        %add3A_214 = arith.addi %add3A_213, %mul3A_177 : i32
        %add3A_215 = arith.constant 96 : i32
        %add3A_216 = arith.addi %add3A_214, %add3A_215 : i32
        %get3A_217 = arith.index_cast %add3A_216 : i32 to index
        %get3A_218 = tpu.vector_load %arg6[%get3A_217] {strides = array<i32>} : memref<16384xi32, #tpu.memory_space<vmem>>, vector<16xi32>,
        %add3A_219 = arith.constant 0 : i32
        %add3A_220 = arith.addi %add3A_219, %mul3A_177 : i32
        %add3A_221 = arith.constant 112 : i32
        %add3A_222 = arith.addi %add3A_220, %add3A_221 : i32
        %get3A_223 = arith.index_cast %add3A_222 : i32 to index
        %get3A_224 = tpu.vector_load %arg6[%get3A_223] {strides = array<i32>} : memref<16384xi32, #tpu.memory_space<vmem>>, vector<16xi32>,
        %add3A_225 = arith.constant 0 : i32
        %add3A_226 = arith.addi %add3A_225, %mul3A_177 : i32
        %add3A_227 = arith.constant 128 : i32
        %add3A_228 = arith.addi %add3A_226, %add3A_227 : i32
        %get3A_229 = arith.index_cast %add3A_228 : i32 to index
        %get3A_230 = tpu.vector_load %arg6[%get3A_229] {strides = array<i32>} : memref<16384xi32, #tpu.memory_space<vmem>>, vector<16xi32>,
        %add3A_231 = arith.constant 0 : i32
        %add3A_232 = arith.addi %add3A_231, %mul3A_177 : i32
        %add3A_233 = arith.constant 144 : i32
        %add3A_234 = arith.addi %add3A_232, %add3A_233 : i32
        %get3A_235 = arith.index_cast %add3A_234 : i32 to index
        %get3A_236 = tpu.vector_load %arg6[%get3A_235] {strides = array<i32>} : memref<16384xi32, #tpu.memory_space<vmem>>, vector<16xi32>,
        %add3A_237 = arith.constant 0 : i32
        %add3A_238 = arith.addi %add3A_237, %mul3A_177 : i32
        %add3A_239 = arith.constant 160 : i32
        %add3A_240 = arith.addi %add3A_238, %add3A_239 : i32
        %get3A_241 = arith.index_cast %add3A_240 : i32 to index
        %get3A_242 = tpu.vector_load %arg6[%get3A_241] {strides = array<i32>} : memref<16384xi32, #tpu.memory_space<vmem>>, vector<16xi32>,
        %add3A_243 = arith.constant 0 : i32
        %add3A_244 = arith.addi %add3A_243, %mul3A_177 : i32
        %add3A_245 = arith.constant 176 : i32
        %add3A_246 = arith.addi %add3A_244, %add3A_245 : i32
        %get3A_247 = arith.index_cast %add3A_246 : i32 to index
        %get3A_248 = tpu.vector_load %arg6[%get3A_247] {strides = array<i32>} : memref<16384xi32, #tpu.memory_space<vmem>>, vector<16xi32>,
        %add3A_249 = arith.constant 0 : i32
        %add3A_250 = arith.addi %add3A_249, %mul3A_177 : i32
        %add3A_251 = arith.constant 192 : i32
        %add3A_252 = arith.addi %add3A_250, %add3A_251 : i32
        %get3A_253 = arith.index_cast %add3A_252 : i32 to index
        %get3A_254 = tpu.vector_load %arg6[%get3A_253] {strides = array<i32>} : memref<16384xi32, #tpu.memory_space<vmem>>, vector<16xi32>,
        %add3A_255 = arith.constant 0 : i32
        %add3A_256 = arith.addi %add3A_255, %mul3A_177 : i32
        %add3A_257 = arith.constant 208 : i32
        %add3A_258 = arith.addi %add3A_256, %add3A_257 : i32
        %get3A_259 = arith.index_cast %add3A_258 : i32 to index
        %get3A_260 = tpu.vector_load %arg6[%get3A_259] {strides = array<i32>} : memref<16384xi32, #tpu.memory_space<vmem>>, vector<16xi32>,
        %add3A_261 = arith.constant 0 : i32
        %add3A_262 = arith.addi %add3A_261, %mul3A_177 : i32
        %add3A_263 = arith.constant 224 : i32
        %add3A_264 = arith.addi %add3A_262, %add3A_263 : i32
        %get3A_265 = arith.index_cast %add3A_264 : i32 to index
        %get3A_266 = tpu.vector_load %arg6[%get3A_265] {strides = array<i32>} : memref<16384xi32, #tpu.memory_space<vmem>>, vector<16xi32>,
        %add3A_267 = arith.constant 0 : i32
        %add3A_268 = arith.addi %add3A_267, %mul3A_177 : i32
        %add3A_269 = arith.constant 240 : i32
        %add3A_270 = arith.addi %add3A_268, %add3A_269 : i32
        %get3A_271 = arith.index_cast %add3A_270 : i32 to index
        %get3A_272 = tpu.vector_load %arg6[%get3A_271] {strides = array<i32>} : memref<16384xi32, #tpu.memory_space<vmem>>, vector<16xi32>,
        %gather3A = tpu.vector_load_idx %arg5[%get3A_182] : memref<100000xf32, #tpu.memory_space<vmem>>[vector<16xi32>], vector<16xf32>,
        %gather3A_273 = tpu.vector_load_idx %arg5[%get3A_188] : memref<100000xf32, #tpu.memory_space<vmem>>[vector<16xi32>], vector<16xf32>,
        %gather3A_274 = tpu.vector_load_idx %arg5[%get3A_194] : memref<100000xf32, #tpu.memory_space<vmem>>[vector<16xi32>], vector<16xf32>,
        %gather3A_275 = tpu.vector_load_idx %arg5[%get3A_200] : memref<100000xf32, #tpu.memory_space<vmem>>[vector<16xi32>], vector<16xf32>,
        %gather3A_276 = tpu.vector_load_idx %arg5[%get3A_206] : memref<100000xf32, #tpu.memory_space<vmem>>[vector<16xi32>], vector<16xf32>,
        %gather3A_277 = tpu.vector_load_idx %arg5[%get3A_212] : memref<100000xf32, #tpu.memory_space<vmem>>[vector<16xi32>], vector<16xf32>,
        %gather3A_278 = tpu.vector_load_idx %arg5[%get3A_218] : memref<100000xf32, #tpu.memory_space<vmem>>[vector<16xi32>], vector<16xf32>,
        %gather3A_279 = tpu.vector_load_idx %arg5[%get3A_224] : memref<100000xf32, #tpu.memory_space<vmem>>[vector<16xi32>], vector<16xf32>,
        %gather3A_280 = tpu.vector_load_idx %arg5[%get3A_230] : memref<100000xf32, #tpu.memory_space<vmem>>[vector<16xi32>], vector<16xf32>,
        %gather3A_281 = tpu.vector_load_idx %arg5[%get3A_236] : memref<100000xf32, #tpu.memory_space<vmem>>[vector<16xi32>], vector<16xf32>,
        %gather3A_282 = tpu.vector_load_idx %arg5[%get3A_242] : memref<100000xf32, #tpu.memory_space<vmem>>[vector<16xi32>], vector<16xf32>,
        %gather3A_283 = tpu.vector_load_idx %arg5[%get3A_248] : memref<100000xf32, #tpu.memory_space<vmem>>[vector<16xi32>], vector<16xf32>,
        %gather3A_284 = tpu.vector_load_idx %arg5[%get3A_254] : memref<100000xf32, #tpu.memory_space<vmem>>[vector<16xi32>], vector<16xf32>,
        %gather3A_285 = tpu.vector_load_idx %arg5[%get3A_260] : memref<100000xf32, #tpu.memory_space<vmem>>[vector<16xi32>], vector<16xf32>,
        %gather3A_286 = tpu.vector_load_idx %arg5[%get3A_266] : memref<100000xf32, #tpu.memory_space<vmem>>[vector<16xi32>], vector<16xf32>,
        %gather3A_287 = tpu.vector_load_idx %arg5[%get3A_272] : memref<100000xf32, #tpu.memory_space<vmem>>[vector<16xi32>], vector<16xf32>,
        %add3A_288 = arith.constant 0 : i32
        %add3A_289 = arith.addi %mul3A_177, %add3A_288 : i32
        %swap3A = arith.index_cast %add3A_289 : i32 to index
        %swap3A_290 = tpu.vector_load %arg7[%swap3A] {strides = array<i32>} : memref<4096xf32, #tpu.memory_space<vmem>>, vector<16xf32>,
        tpu.vector_store %arg7[%swap3A], %gather3A {strides = array<i32>} : memref<4096xf32, #tpu.memory_space<vmem>>, vector<16xf32>,
        %add3A_291 = arith.constant 16 : i32
        %add3A_292 = arith.addi %mul3A_177, %add3A_291 : i32
        %swap3A_293 = arith.index_cast %add3A_292 : i32 to index
        %swap3A_294 = tpu.vector_load %arg7[%swap3A_293] {strides = array<i32>} : memref<4096xf32, #tpu.memory_space<vmem>>, vector<16xf32>,
        tpu.vector_store %arg7[%swap3A_293], %gather3A_273 {strides = array<i32>} : memref<4096xf32, #tpu.memory_space<vmem>>, vector<16xf32>,
        %add3A_295 = arith.constant 32 : i32
        %add3A_296 = arith.addi %mul3A_177, %add3A_295 : i32
        %swap3A_297 = arith.index_cast %add3A_296 : i32 to index
        %swap3A_298 = tpu.vector_load %arg7[%swap3A_297] {strides = array<i32>} : memref<4096xf32, #tpu.memory_space<vmem>>, vector<16xf32>,
        tpu.vector_store %arg7[%swap3A_297], %gather3A_274 {strides = array<i32>} : memref<4096xf32, #tpu.memory_space<vmem>>, vector<16xf32>,
        %add3A_299 = arith.constant 48 : i32
        %add3A_300 = arith.addi %mul3A_177, %add3A_299 : i32
        %swap3A_301 = arith.index_cast %add3A_300 : i32 to index
        %swap3A_302 = tpu.vector_load %arg7[%swap3A_301] {strides = array<i32>} : memref<4096xf32, #tpu.memory_space<vmem>>, vector<16xf32>,
        tpu.vector_store %arg7[%swap3A_301], %gather3A_275 {strides = array<i32>} : memref<4096xf32, #tpu.memory_space<vmem>>, vector<16xf32>,
        %add3A_303 = arith.constant 64 : i32
        %add3A_304 = arith.addi %mul3A_177, %add3A_303 : i32
        %swap3A_305 = arith.index_cast %add3A_304 : i32 to index
        %swap3A_306 = tpu.vector_load %arg7[%swap3A_305] {strides = array<i32>} : memref<4096xf32, #tpu.memory_space<vmem>>, vector<16xf32>,
        tpu.vector_store %arg7[%swap3A_305], %gather3A_276 {strides = array<i32>} : memref<4096xf32, #tpu.memory_space<vmem>>, vector<16xf32>,
        %add3A_307 = arith.constant 80 : i32
        %add3A_308 = arith.addi %mul3A_177, %add3A_307 : i32
        %swap3A_309 = arith.index_cast %add3A_308 : i32 to index
        %swap3A_310 = tpu.vector_load %arg7[%swap3A_309] {strides = array<i32>} : memref<4096xf32, #tpu.memory_space<vmem>>, vector<16xf32>,
        tpu.vector_store %arg7[%swap3A_309], %gather3A_277 {strides = array<i32>} : memref<4096xf32, #tpu.memory_space<vmem>>, vector<16xf32>,
        %add3A_311 = arith.constant 96 : i32
        %add3A_312 = arith.addi %mul3A_177, %add3A_311 : i32
        %swap3A_313 = arith.index_cast %add3A_312 : i32 to index
        %swap3A_314 = tpu.vector_load %arg7[%swap3A_313] {strides = array<i32>} : memref<4096xf32, #tpu.memory_space<vmem>>, vector<16xf32>,
        tpu.vector_store %arg7[%swap3A_313], %gather3A_278 {strides = array<i32>} : memref<4096xf32, #tpu.memory_space<vmem>>, vector<16xf32>,
        %add3A_315 = arith.constant 112 : i32
        %add3A_316 = arith.addi %mul3A_177, %add3A_315 : i32
        %swap3A_317 = arith.index_cast %add3A_316 : i32 to index
        %swap3A_318 = tpu.vector_load %arg7[%swap3A_317] {strides = array<i32>} : memref<4096xf32, #tpu.memory_space<vmem>>, vector<16xf32>,
        tpu.vector_store %arg7[%swap3A_317], %gather3A_279 {strides = array<i32>} : memref<4096xf32, #tpu.memory_space<vmem>>, vector<16xf32>,
        %add3A_319 = arith.constant 128 : i32
        %add3A_320 = arith.addi %mul3A_177, %add3A_319 : i32
        %swap3A_321 = arith.index_cast %add3A_320 : i32 to index
        %swap3A_322 = tpu.vector_load %arg7[%swap3A_321] {strides = array<i32>} : memref<4096xf32, #tpu.memory_space<vmem>>, vector<16xf32>,
        tpu.vector_store %arg7[%swap3A_321], %gather3A_280 {strides = array<i32>} : memref<4096xf32, #tpu.memory_space<vmem>>, vector<16xf32>,
        %add3A_323 = arith.constant 144 : i32
        %add3A_324 = arith.addi %mul3A_177, %add3A_323 : i32
        %swap3A_325 = arith.index_cast %add3A_324 : i32 to index
        %swap3A_326 = tpu.vector_load %arg7[%swap3A_325] {strides = array<i32>} : memref<4096xf32, #tpu.memory_space<vmem>>, vector<16xf32>,
        tpu.vector_store %arg7[%swap3A_325], %gather3A_281 {strides = array<i32>} : memref<4096xf32, #tpu.memory_space<vmem>>, vector<16xf32>,
        %add3A_327 = arith.constant 160 : i32
        %add3A_328 = arith.addi %mul3A_177, %add3A_327 : i32
        %swap3A_329 = arith.index_cast %add3A_328 : i32 to index
        %swap3A_330 = tpu.vector_load %arg7[%swap3A_329] {strides = array<i32>} : memref<4096xf32, #tpu.memory_space<vmem>>, vector<16xf32>,
        tpu.vector_store %arg7[%swap3A_329], %gather3A_282 {strides = array<i32>} : memref<4096xf32, #tpu.memory_space<vmem>>, vector<16xf32>,
        %add3A_331 = arith.constant 176 : i32
        %add3A_332 = arith.addi %mul3A_177, %add3A_331 : i32
        %swap3A_333 = arith.index_cast %add3A_332 : i32 to index
        %swap3A_334 = tpu.vector_load %arg7[%swap3A_333] {strides = array<i32>} : memref<4096xf32, #tpu.memory_space<vmem>>, vector<16xf32>,
        tpu.vector_store %arg7[%swap3A_333], %gather3A_283 {strides = array<i32>} : memref<4096xf32, #tpu.memory_space<vmem>>, vector<16xf32>,
        %add3A_335 = arith.constant 192 : i32
        %add3A_336 = arith.addi %mul3A_177, %add3A_335 : i32
        %swap3A_337 = arith.index_cast %add3A_336 : i32 to index
        %swap3A_338 = tpu.vector_load %arg7[%swap3A_337] {strides = array<i32>} : memref<4096xf32, #tpu.memory_space<vmem>>, vector<16xf32>,
        tpu.vector_store %arg7[%swap3A_337], %gather3A_284 {strides = array<i32>} : memref<4096xf32, #tpu.memory_space<vmem>>, vector<16xf32>,
        %add3A_339 = arith.constant 208 : i32
        %add3A_340 = arith.addi %mul3A_177, %add3A_339 : i32
        %swap3A_341 = arith.index_cast %add3A_340 : i32 to index
        %swap3A_342 = tpu.vector_load %arg7[%swap3A_341] {strides = array<i32>} : memref<4096xf32, #tpu.memory_space<vmem>>, vector<16xf32>,
        tpu.vector_store %arg7[%swap3A_341], %gather3A_285 {strides = array<i32>} : memref<4096xf32, #tpu.memory_space<vmem>>, vector<16xf32>,
        %add3A_343 = arith.constant 224 : i32
        %add3A_344 = arith.addi %mul3A_177, %add3A_343 : i32
        %swap3A_345 = arith.index_cast %add3A_344 : i32 to index
        %swap3A_346 = tpu.vector_load %arg7[%swap3A_345] {strides = array<i32>} : memref<4096xf32, #tpu.memory_space<vmem>>, vector<16xf32>,
        tpu.vector_store %arg7[%swap3A_345], %gather3A_286 {strides = array<i32>} : memref<4096xf32, #tpu.memory_space<vmem>>, vector<16xf32>,
        %add3A_347 = arith.constant 240 : i32
        %add3A_348 = arith.addi %mul3A_177, %add3A_347 : i32
        %swap3A_349 = arith.index_cast %add3A_348 : i32 to index
        %swap3A_350 = tpu.vector_load %arg7[%swap3A_349] {strides = array<i32>} : memref<4096xf32, #tpu.memory_space<vmem>>, vector<16xf32>,
        tpu.vector_store %arg7[%swap3A_349], %gather3A_287 {strides = array<i32>} : memref<4096xf32, #tpu.memory_space<vmem>>, vector<16xf32>,
      }
      %scan3A_99 = arith.constant 16 : i32
      %dma_start3A_100 = arith.constant 0 : i32
      %dma_start3A_101 = tpu.memref_slice %arg4[%add3A_46, %dma_start3A_100] : memref<832x16384xf32, #tpu.memory_space<hbm>> -> memref<1x4096xf32, #tpu.memory_space<hbm>>
      %dma_start3A_102 = tpu.memref_squeeze %dma_start3A_101 : memref<1x4096xf32, #tpu.memory_space<hbm>> -> memref<4096xf32, #tpu.memory_space<hbm>>
      %dma_start3A_103 = arith.constant 0 : i32
      %dma_start3A_104 = tpu.memref_slice %arg4[%add3A_46, %dma_start3A_103] : memref<832x16384xf32, #tpu.memory_space<hbm>> -> memref<1x4096xf32, #tpu.memory_space<hbm>>
      %dma_start3A_105 = tpu.memref_squeeze %dma_start3A_104 : memref<1x4096xf32, #tpu.memory_space<hbm>> -> memref<4096xf32, #tpu.memory_space<hbm>>
      tpu.enqueue_dma source(%arg7 : memref<4096xf32, #tpu.memory_space<vmem>>) target(%dma_start3A_105 : memref<4096xf32, #tpu.memory_space<hbm>>) target_semaphore(%arg9 : memref<!tpu.dma_semaphore, #tpu.memory_space<semaphore_mem>>)
      %scan3A_106 = arith.constant 0 : i32
      %scan3A_107 = arith.constant 0 : i32
      %scan3A_108 = arith.constant 16 : i32
      %scan3A_109 = arith.addi %scan3A_107, %scan3A_108 : i32
      %scan3A_110 = arith.constant 1 : i32
      scf.for %scan3A_173 = %scan3A_107 to %scan3A_109 step %scan3A_110  : i32 {
        %mul3A_174 = arith.constant 16 : i32
        %mul3A_175 = arith.muli %scan3A_173, %mul3A_174 : i32
        %mul3A_176 = arith.constant 16 : i32
        %mul3A_177 = arith.muli %mul3A_175, %mul3A_176 : i32
        %add3A_178 = arith.constant 4096 : i32
        %add3A_179 = arith.addi %add3A_178, %mul3A_177 : i32
        %add3A_180 = arith.constant 0 : i32
        %add3A_181 = arith.addi %add3A_179, %add3A_180 : i32
        %get3A = arith.index_cast %add3A_181 : i32 to index
        %get3A_182 = tpu.vector_load %arg6[%get3A] {strides = array<i32>} : memref<16384xi32, #tpu.memory_space<vmem>>, vector<16xi32>,
        %add3A_183 = arith.constant 4096 : i32
        %add3A_184 = arith.addi %add3A_183, %mul3A_177 : i32
        %add3A_185 = arith.constant 16 : i32
        %add3A_186 = arith.addi %add3A_184, %add3A_185 : i32
        %get3A_187 = arith.index_cast %add3A_186 : i32 to index
        %get3A_188 = tpu.vector_load %arg6[%get3A_187] {strides = array<i32>} : memref<16384xi32, #tpu.memory_space<vmem>>, vector<16xi32>,
        %add3A_189 = arith.constant 4096 : i32
        %add3A_190 = arith.addi %add3A_189, %mul3A_177 : i32
        %add3A_191 = arith.constant 32 : i32
        %add3A_192 = arith.addi %add3A_190, %add3A_191 : i32
        %get3A_193 = arith.index_cast %add3A_192 : i32 to index
        %get3A_194 = tpu.vector_load %arg6[%get3A_193] {strides = array<i32>} : memref<16384xi32, #tpu.memory_space<vmem>>, vector<16xi32>,
        %add3A_195 = arith.constant 4096 : i32
        %add3A_196 = arith.addi %add3A_195, %mul3A_177 : i32
        %add3A_197 = arith.constant 48 : i32
        %add3A_198 = arith.addi %add3A_196, %add3A_197 : i32
        %get3A_199 = arith.index_cast %add3A_198 : i32 to index
        %get3A_200 = tpu.vector_load %arg6[%get3A_199] {strides = array<i32>} : memref<16384xi32, #tpu.memory_space<vmem>>, vector<16xi32>,
        %add3A_201 = arith.constant 4096 : i32
        %add3A_202 = arith.addi %add3A_201, %mul3A_177 : i32
        %add3A_203 = arith.constant 64 : i32
        %add3A_204 = arith.addi %add3A_202, %add3A_203 : i32
        %get3A_205 = arith.index_cast %add3A_204 : i32 to index
        %get3A_206 = tpu.vector_load %arg6[%get3A_205] {strides = array<i32>} : memref<16384xi32, #tpu.memory_space<vmem>>, vector<16xi32>,
        %add3A_207 = arith.constant 4096 : i32
        %add3A_208 = arith.addi %add3A_207, %mul3A_177 : i32
        %add3A_209 = arith.constant 80 : i32
        %add3A_210 = arith.addi %add3A_208, %add3A_209 : i32
        %get3A_211 = arith.index_cast %add3A_210 : i32 to index
        %get3A_212 = tpu.vector_load %arg6[%get3A_211] {strides = array<i32>} : memref<16384xi32, #tpu.memory_space<vmem>>, vector<16xi32>,
        %add3A_213 = arith.constant 4096 : i32
        %add3A_214 = arith.addi %add3A_213, %mul3A_177 : i32
        %add3A_215 = arith.constant 96 : i32
        %add3A_216 = arith.addi %add3A_214, %add3A_215 : i32
        %get3A_217 = arith.index_cast %add3A_216 : i32 to index
        %get3A_218 = tpu.vector_load %arg6[%get3A_217] {strides = array<i32>} : memref<16384xi32, #tpu.memory_space<vmem>>, vector<16xi32>,
        %add3A_219 = arith.constant 4096 : i32
        %add3A_220 = arith.addi %add3A_219, %mul3A_177 : i32
        %add3A_221 = arith.constant 112 : i32
        %add3A_222 = arith.addi %add3A_220, %add3A_221 : i32
        %get3A_223 = arith.index_cast %add3A_222 : i32 to index
        %get3A_224 = tpu.vector_load %arg6[%get3A_223] {strides = array<i32>} : memref<16384xi32, #tpu.memory_space<vmem>>, vector<16xi32>,
        %add3A_225 = arith.constant 4096 : i32
        %add3A_226 = arith.addi %add3A_225, %mul3A_177 : i32
        %add3A_227 = arith.constant 128 : i32
        %add3A_228 = arith.addi %add3A_226, %add3A_227 : i32
        %get3A_229 = arith.index_cast %add3A_228 : i32 to index
        %get3A_230 = tpu.vector_load %arg6[%get3A_229] {strides = array<i32>} : memref<16384xi32, #tpu.memory_space<vmem>>, vector<16xi32>,
        %add3A_231 = arith.constant 4096 : i32
        %add3A_232 = arith.addi %add3A_231, %mul3A_177 : i32
        %add3A_233 = arith.constant 144 : i32
        %add3A_234 = arith.addi %add3A_232, %add3A_233 : i32
        %get3A_235 = arith.index_cast %add3A_234 : i32 to index
        %get3A_236 = tpu.vector_load %arg6[%get3A_235] {strides = array<i32>} : memref<16384xi32, #tpu.memory_space<vmem>>, vector<16xi32>,
        %add3A_237 = arith.constant 4096 : i32
        %add3A_238 = arith.addi %add3A_237, %mul3A_177 : i32
        %add3A_239 = arith.constant 160 : i32
        %add3A_240 = arith.addi %add3A_238, %add3A_239 : i32
        %get3A_241 = arith.index_cast %add3A_240 : i32 to index
        %get3A_242 = tpu.vector_load %arg6[%get3A_241] {strides = array<i32>} : memref<16384xi32, #tpu.memory_space<vmem>>, vector<16xi32>,
        %add3A_243 = arith.constant 4096 : i32
        %add3A_244 = arith.addi %add3A_243, %mul3A_177 : i32
        %add3A_245 = arith.constant 176 : i32
        %add3A_246 = arith.addi %add3A_244, %add3A_245 : i32
        %get3A_247 = arith.index_cast %add3A_246 : i32 to index
        %get3A_248 = tpu.vector_load %arg6[%get3A_247] {strides = array<i32>} : memref<16384xi32, #tpu.memory_space<vmem>>, vector<16xi32>,
        %add3A_249 = arith.constant 4096 : i32
        %add3A_250 = arith.addi %add3A_249, %mul3A_177 : i32
        %add3A_251 = arith.constant 192 : i32
        %add3A_252 = arith.addi %add3A_250, %add3A_251 : i32
        %get3A_253 = arith.index_cast %add3A_252 : i32 to index
        %get3A_254 = tpu.vector_load %arg6[%get3A_253] {strides = array<i32>} : memref<16384xi32, #tpu.memory_space<vmem>>, vector<16xi32>,
        %add3A_255 = arith.constant 4096 : i32
        %add3A_256 = arith.addi %add3A_255, %mul3A_177 : i32
        %add3A_257 = arith.constant 208 : i32
        %add3A_258 = arith.addi %add3A_256, %add3A_257 : i32
        %get3A_259 = arith.index_cast %add3A_258 : i32 to index
        %get3A_260 = tpu.vector_load %arg6[%get3A_259] {strides = array<i32>} : memref<16384xi32, #tpu.memory_space<vmem>>, vector<16xi32>,
        %add3A_261 = arith.constant 4096 : i32
        %add3A_262 = arith.addi %add3A_261, %mul3A_177 : i32
        %add3A_263 = arith.constant 224 : i32
        %add3A_264 = arith.addi %add3A_262, %add3A_263 : i32
        %get3A_265 = arith.index_cast %add3A_264 : i32 to index
        %get3A_266 = tpu.vector_load %arg6[%get3A_265] {strides = array<i32>} : memref<16384xi32, #tpu.memory_space<vmem>>, vector<16xi32>,
        %add3A_267 = arith.constant 4096 : i32
        %add3A_268 = arith.addi %add3A_267, %mul3A_177 : i32
        %add3A_269 = arith.constant 240 : i32
        %add3A_270 = arith.addi %add3A_268, %add3A_269 : i32
        %get3A_271 = arith.index_cast %add3A_270 : i32 to index
        %get3A_272 = tpu.vector_load %arg6[%get3A_271] {strides = array<i32>} : memref<16384xi32, #tpu.memory_space<vmem>>, vector<16xi32>,
        %gather3A = tpu.vector_load_idx %arg5[%get3A_182] : memref<100000xf32, #tpu.memory_space<vmem>>[vector<16xi32>], vector<16xf32>,
        %gather3A_273 = tpu.vector_load_idx %arg5[%get3A_188] : memref<100000xf32, #tpu.memory_space<vmem>>[vector<16xi32>], vector<16xf32>,
        %gather3A_274 = tpu.vector_load_idx %arg5[%get3A_194] : memref<100000xf32, #tpu.memory_space<vmem>>[vector<16xi32>], vector<16xf32>,
        %gather3A_275 = tpu.vector_load_idx %arg5[%get3A_200] : memref<100000xf32, #tpu.memory_space<vmem>>[vector<16xi32>], vector<16xf32>,
        %gather3A_276 = tpu.vector_load_idx %arg5[%get3A_206] : memref<100000xf32, #tpu.memory_space<vmem>>[vector<16xi32>], vector<16xf32>,
        %gather3A_277 = tpu.vector_load_idx %arg5[%get3A_212] : memref<100000xf32, #tpu.memory_space<vmem>>[vector<16xi32>], vector<16xf32>,
        %gather3A_278 = tpu.vector_load_idx %arg5[%get3A_218] : memref<100000xf32, #tpu.memory_space<vmem>>[vector<16xi32>], vector<16xf32>,
        %gather3A_279 = tpu.vector_load_idx %arg5[%get3A_224] : memref<100000xf32, #tpu.memory_space<vmem>>[vector<16xi32>], vector<16xf32>,
        %gather3A_280 = tpu.vector_load_idx %arg5[%get3A_230] : memref<100000xf32, #tpu.memory_space<vmem>>[vector<16xi32>], vector<16xf32>,
        %gather3A_281 = tpu.vector_load_idx %arg5[%get3A_236] : memref<100000xf32, #tpu.memory_space<vmem>>[vector<16xi32>], vector<16xf32>,
        %gather3A_282 = tpu.vector_load_idx %arg5[%get3A_242] : memref<100000xf32, #tpu.memory_space<vmem>>[vector<16xi32>], vector<16xf32>,
        %gather3A_283 = tpu.vector_load_idx %arg5[%get3A_248] : memref<100000xf32, #tpu.memory_space<vmem>>[vector<16xi32>], vector<16xf32>,
        %gather3A_284 = tpu.vector_load_idx %arg5[%get3A_254] : memref<100000xf32, #tpu.memory_space<vmem>>[vector<16xi32>], vector<16xf32>,
        %gather3A_285 = tpu.vector_load_idx %arg5[%get3A_260] : memref<100000xf32, #tpu.memory_space<vmem>>[vector<16xi32>], vector<16xf32>,
        %gather3A_286 = tpu.vector_load_idx %arg5[%get3A_266] : memref<100000xf32, #tpu.memory_space<vmem>>[vector<16xi32>], vector<16xf32>,
        %gather3A_287 = tpu.vector_load_idx %arg5[%get3A_272] : memref<100000xf32, #tpu.memory_space<vmem>>[vector<16xi32>], vector<16xf32>,
        %add3A_288 = arith.constant 0 : i32
        %add3A_289 = arith.addi %mul3A_177, %add3A_288 : i32
        %swap3A = arith.index_cast %add3A_289 : i32 to index
        %swap3A_290 = tpu.vector_load %arg8[%swap3A] {strides = array<i32>} : memref<4096xf32, #tpu.memory_space<vmem>>, vector<16xf32>,
        tpu.vector_store %arg8[%swap3A], %gather3A {strides = array<i32>} : memref<4096xf32, #tpu.memory_space<vmem>>, vector<16xf32>,
        %add3A_291 = arith.constant 16 : i32
        %add3A_292 = arith.addi %mul3A_177, %add3A_291 : i32
        %swap3A_293 = arith.index_cast %add3A_292 : i32 to index
        %swap3A_294 = tpu.vector_load %arg8[%swap3A_293] {strides = array<i32>} : memref<4096xf32, #tpu.memory_space<vmem>>, vector<16xf32>,
        tpu.vector_store %arg8[%swap3A_293], %gather3A_273 {strides = array<i32>} : memref<4096xf32, #tpu.memory_space<vmem>>, vector<16xf32>,
        %add3A_295 = arith.constant 32 : i32
        %add3A_296 = arith.addi %mul3A_177, %add3A_295 : i32
        %swap3A_297 = arith.index_cast %add3A_296 : i32 to index
        %swap3A_298 = tpu.vector_load %arg8[%swap3A_297] {strides = array<i32>} : memref<4096xf32, #tpu.memory_space<vmem>>, vector<16xf32>,
        tpu.vector_store %arg8[%swap3A_297], %gather3A_274 {strides = array<i32>} : memref<4096xf32, #tpu.memory_space<vmem>>, vector<16xf32>,
        %add3A_299 = arith.constant 48 : i32
        %add3A_300 = arith.addi %mul3A_177, %add3A_299 : i32
        %swap3A_301 = arith.index_cast %add3A_300 : i32 to index
        %swap3A_302 = tpu.vector_load %arg8[%swap3A_301] {strides = array<i32>} : memref<4096xf32, #tpu.memory_space<vmem>>, vector<16xf32>,
        tpu.vector_store %arg8[%swap3A_301], %gather3A_275 {strides = array<i32>} : memref<4096xf32, #tpu.memory_space<vmem>>, vector<16xf32>,
        %add3A_303 = arith.constant 64 : i32
        %add3A_304 = arith.addi %mul3A_177, %add3A_303 : i32
        %swap3A_305 = arith.index_cast %add3A_304 : i32 to index
        %swap3A_306 = tpu.vector_load %arg8[%swap3A_305] {strides = array<i32>} : memref<4096xf32, #tpu.memory_space<vmem>>, vector<16xf32>,
        tpu.vector_store %arg8[%swap3A_305], %gather3A_276 {strides = array<i32>} : memref<4096xf32, #tpu.memory_space<vmem>>, vector<16xf32>,
        %add3A_307 = arith.constant 80 : i32
        %add3A_308 = arith.addi %mul3A_177, %add3A_307 : i32
        %swap3A_309 = arith.index_cast %add3A_308 : i32 to index
        %swap3A_310 = tpu.vector_load %arg8[%swap3A_309] {strides = array<i32>} : memref<4096xf32, #tpu.memory_space<vmem>>, vector<16xf32>,
        tpu.vector_store %arg8[%swap3A_309], %gather3A_277 {strides = array<i32>} : memref<4096xf32, #tpu.memory_space<vmem>>, vector<16xf32>,
        %add3A_311 = arith.constant 96 : i32
        %add3A_312 = arith.addi %mul3A_177, %add3A_311 : i32
        %swap3A_313 = arith.index_cast %add3A_312 : i32 to index
        %swap3A_314 = tpu.vector_load %arg8[%swap3A_313] {strides = array<i32>} : memref<4096xf32, #tpu.memory_space<vmem>>, vector<16xf32>,
        tpu.vector_store %arg8[%swap3A_313], %gather3A_278 {strides = array<i32>} : memref<4096xf32, #tpu.memory_space<vmem>>, vector<16xf32>,
        %add3A_315 = arith.constant 112 : i32
        %add3A_316 = arith.addi %mul3A_177, %add3A_315 : i32
        %swap3A_317 = arith.index_cast %add3A_316 : i32 to index
        %swap3A_318 = tpu.vector_load %arg8[%swap3A_317] {strides = array<i32>} : memref<4096xf32, #tpu.memory_space<vmem>>, vector<16xf32>,
        tpu.vector_store %arg8[%swap3A_317], %gather3A_279 {strides = array<i32>} : memref<4096xf32, #tpu.memory_space<vmem>>, vector<16xf32>,
        %add3A_319 = arith.constant 128 : i32
        %add3A_320 = arith.addi %mul3A_177, %add3A_319 : i32
        %swap3A_321 = arith.index_cast %add3A_320 : i32 to index
        %swap3A_322 = tpu.vector_load %arg8[%swap3A_321] {strides = array<i32>} : memref<4096xf32, #tpu.memory_space<vmem>>, vector<16xf32>,
        tpu.vector_store %arg8[%swap3A_321], %gather3A_280 {strides = array<i32>} : memref<4096xf32, #tpu.memory_space<vmem>>, vector<16xf32>,
        %add3A_323 = arith.constant 144 : i32
        %add3A_324 = arith.addi %mul3A_177, %add3A_323 : i32
        %swap3A_325 = arith.index_cast %add3A_324 : i32 to index
        %swap3A_326 = tpu.vector_load %arg8[%swap3A_325] {strides = array<i32>} : memref<4096xf32, #tpu.memory_space<vmem>>, vector<16xf32>,
        tpu.vector_store %arg8[%swap3A_325], %gather3A_281 {strides = array<i32>} : memref<4096xf32, #tpu.memory_space<vmem>>, vector<16xf32>,
        %add3A_327 = arith.constant 160 : i32
        %add3A_328 = arith.addi %mul3A_177, %add3A_327 : i32
        %swap3A_329 = arith.index_cast %add3A_328 : i32 to index
        %swap3A_330 = tpu.vector_load %arg8[%swap3A_329] {strides = array<i32>} : memref<4096xf32, #tpu.memory_space<vmem>>, vector<16xf32>,
        tpu.vector_store %arg8[%swap3A_329], %gather3A_282 {strides = array<i32>} : memref<4096xf32, #tpu.memory_space<vmem>>, vector<16xf32>,
        %add3A_331 = arith.constant 176 : i32
        %add3A_332 = arith.addi %mul3A_177, %add3A_331 : i32
        %swap3A_333 = arith.index_cast %add3A_332 : i32 to index
        %swap3A_334 = tpu.vector_load %arg8[%swap3A_333] {strides = array<i32>} : memref<4096xf32, #tpu.memory_space<vmem>>, vector<16xf32>,
        tpu.vector_store %arg8[%swap3A_333], %gather3A_283 {strides = array<i32>} : memref<4096xf32, #tpu.memory_space<vmem>>, vector<16xf32>,
        %add3A_335 = arith.constant 192 : i32
        %add3A_336 = arith.addi %mul3A_177, %add3A_335 : i32
        %swap3A_337 = arith.index_cast %add3A_336 : i32 to index
        %swap3A_338 = tpu.vector_load %arg8[%swap3A_337] {strides = array<i32>} : memref<4096xf32, #tpu.memory_space<vmem>>, vector<16xf32>,
        tpu.vector_store %arg8[%swap3A_337], %gather3A_284 {strides = array<i32>} : memref<4096xf32, #tpu.memory_space<vmem>>, vector<16xf32>,
        %add3A_339 = arith.constant 208 : i32
        %add3A_340 = arith.addi %mul3A_177, %add3A_339 : i32
        %swap3A_341 = arith.index_cast %add3A_340 : i32 to index
        %swap3A_342 = tpu.vector_load %arg8[%swap3A_341] {strides = array<i32>} : memref<4096xf32, #tpu.memory_space<vmem>>, vector<16xf32>,
        tpu.vector_store %arg8[%swap3A_341], %gather3A_285 {strides = array<i32>} : memref<4096xf32, #tpu.memory_space<vmem>>, vector<16xf32>,
        %add3A_343 = arith.constant 224 : i32
        %add3A_344 = arith.addi %mul3A_177, %add3A_343 : i32
        %swap3A_345 = arith.index_cast %add3A_344 : i32 to index
        %swap3A_346 = tpu.vector_load %arg8[%swap3A_345] {strides = array<i32>} : memref<4096xf32, #tpu.memory_space<vmem>>, vector<16xf32>,
        tpu.vector_store %arg8[%swap3A_345], %gather3A_286 {strides = array<i32>} : memref<4096xf32, #tpu.memory_space<vmem>>, vector<16xf32>,
        %add3A_347 = arith.constant 240 : i32
        %add3A_348 = arith.addi %mul3A_177, %add3A_347 : i32
        %swap3A_349 = arith.index_cast %add3A_348 : i32 to index
        %swap3A_350 = tpu.vector_load %arg8[%swap3A_349] {strides = array<i32>} : memref<4096xf32, #tpu.memory_space<vmem>>, vector<16xf32>,
        tpu.vector_store %arg8[%swap3A_349], %gather3A_287 {strides = array<i32>} : memref<4096xf32, #tpu.memory_space<vmem>>, vector<16xf32>,
      }
      %scan3A_111 = arith.constant 16 : i32
      %dma_start3A_112 = arith.constant 4096 : i32
      %dma_start3A_113 = tpu.memref_slice %arg4[%add3A_46, %dma_start3A_112] : memref<832x16384xf32, #tpu.memory_space<hbm>> -> memref<1x4096xf32, #tpu.memory_space<hbm>>
      %dma_start3A_114 = tpu.memref_squeeze %dma_start3A_113 : memref<1x4096xf32, #tpu.memory_space<hbm>> -> memref<4096xf32, #tpu.memory_space<hbm>>
      %dma_start3A_115 = arith.constant 4096 : i32
      %dma_start3A_116 = tpu.memref_slice %arg4[%add3A_46, %dma_start3A_115] : memref<832x16384xf32, #tpu.memory_space<hbm>> -> memref<1x4096xf32, #tpu.memory_space<hbm>>
      %dma_start3A_117 = tpu.memref_squeeze %dma_start3A_116 : memref<1x4096xf32, #tpu.memory_space<hbm>> -> memref<4096xf32, #tpu.memory_space<hbm>>
      tpu.enqueue_dma source(%arg8 : memref<4096xf32, #tpu.memory_space<vmem>>) target(%dma_start3A_117 : memref<4096xf32, #tpu.memory_space<hbm>>) target_semaphore(%arg10 : memref<!tpu.dma_semaphore, #tpu.memory_space<semaphore_mem>>)
      %dma_wait3A_118 = arith.constant 0 : i32
      %dma_wait3A_119 = tpu.memref_slice %arg4[%add3A_46, %dma_wait3A_118] : memref<832x16384xf32, #tpu.memory_space<hbm>> -> memref<1x4096xf32, #tpu.memory_space<hbm>>
      %dma_wait3A_120 = tpu.memref_squeeze %dma_wait3A_119 : memref<1x4096xf32, #tpu.memory_space<hbm>> -> memref<4096xf32, #tpu.memory_space<hbm>>
      %dma_wait3A_121 = arith.constant 0 : i32
      %dma_wait3A_122 = tpu.memref_slice %arg4[%add3A_46, %dma_wait3A_121] : memref<832x16384xf32, #tpu.memory_space<hbm>> -> memref<1x4096xf32, #tpu.memory_space<hbm>>
      %dma_wait3A_123 = tpu.memref_squeeze %dma_wait3A_122 : memref<1x4096xf32, #tpu.memory_space<hbm>> -> memref<4096xf32, #tpu.memory_space<hbm>>
      tpu.wait_dma2 semaphore(%arg9 : memref<!tpu.dma_semaphore, #tpu.memory_space<semaphore_mem>>) src(%arg7 : memref<4096xf32, #tpu.memory_space<vmem>>) dst(%dma_wait3A_123 : memref<4096xf32, #tpu.memory_space<hbm>>)
      %scan3A_124 = arith.constant 0 : i32
      %scan3A_125 = arith.constant 0 : i32
      %scan3A_126 = arith.constant 16 : i32
      %scan3A_127 = arith.addi %scan3A_125, %scan3A_126 : i32
      %scan3A_128 = arith.constant 1 : i32
      scf.for %scan3A_173 = %scan3A_125 to %scan3A_127 step %scan3A_128  : i32 {
        %mul3A_174 = arith.constant 16 : i32
        %mul3A_175 = arith.muli %scan3A_173, %mul3A_174 : i32
        %mul3A_176 = arith.constant 16 : i32
        %mul3A_177 = arith.muli %mul3A_175, %mul3A_176 : i32
        %add3A_178 = arith.constant 8192 : i32
        %add3A_179 = arith.addi %add3A_178, %mul3A_177 : i32
        %add3A_180 = arith.constant 0 : i32
        %add3A_181 = arith.addi %add3A_179, %add3A_180 : i32
        %get3A = arith.index_cast %add3A_181 : i32 to index
        %get3A_182 = tpu.vector_load %arg6[%get3A] {strides = array<i32>} : memref<16384xi32, #tpu.memory_space<vmem>>, vector<16xi32>,
        %add3A_183 = arith.constant 8192 : i32
        %add3A_184 = arith.addi %add3A_183, %mul3A_177 : i32
        %add3A_185 = arith.constant 16 : i32
        %add3A_186 = arith.addi %add3A_184, %add3A_185 : i32
        %get3A_187 = arith.index_cast %add3A_186 : i32 to index
        %get3A_188 = tpu.vector_load %arg6[%get3A_187] {strides = array<i32>} : memref<16384xi32, #tpu.memory_space<vmem>>, vector<16xi32>,
        %add3A_189 = arith.constant 8192 : i32
        %add3A_190 = arith.addi %add3A_189, %mul3A_177 : i32
        %add3A_191 = arith.constant 32 : i32
        %add3A_192 = arith.addi %add3A_190, %add3A_191 : i32
        %get3A_193 = arith.index_cast %add3A_192 : i32 to index
        %get3A_194 = tpu.vector_load %arg6[%get3A_193] {strides = array<i32>} : memref<16384xi32, #tpu.memory_space<vmem>>, vector<16xi32>,
        %add3A_195 = arith.constant 8192 : i32
        %add3A_196 = arith.addi %add3A_195, %mul3A_177 : i32
        %add3A_197 = arith.constant 48 : i32
        %add3A_198 = arith.addi %add3A_196, %add3A_197 : i32
        %get3A_199 = arith.index_cast %add3A_198 : i32 to index
        %get3A_200 = tpu.vector_load %arg6[%get3A_199] {strides = array<i32>} : memref<16384xi32, #tpu.memory_space<vmem>>, vector<16xi32>,
        %add3A_201 = arith.constant 8192 : i32
        %add3A_202 = arith.addi %add3A_201, %mul3A_177 : i32
        %add3A_203 = arith.constant 64 : i32
        %add3A_204 = arith.addi %add3A_202, %add3A_203 : i32
        %get3A_205 = arith.index_cast %add3A_204 : i32 to index
        %get3A_206 = tpu.vector_load %arg6[%get3A_205] {strides = array<i32>} : memref<16384xi32, #tpu.memory_space<vmem>>, vector<16xi32>,
        %add3A_207 = arith.constant 8192 : i32
        %add3A_208 = arith.addi %add3A_207, %mul3A_177 : i32
        %add3A_209 = arith.constant 80 : i32
        %add3A_210 = arith.addi %add3A_208, %add3A_209 : i32
        %get3A_211 = arith.index_cast %add3A_210 : i32 to index
        %get3A_212 = tpu.vector_load %arg6[%get3A_211] {strides = array<i32>} : memref<16384xi32, #tpu.memory_space<vmem>>, vector<16xi32>,
        %add3A_213 = arith.constant 8192 : i32
        %add3A_214 = arith.addi %add3A_213, %mul3A_177 : i32
        %add3A_215 = arith.constant 96 : i32
        %add3A_216 = arith.addi %add3A_214, %add3A_215 : i32
        %get3A_217 = arith.index_cast %add3A_216 : i32 to index
        %get3A_218 = tpu.vector_load %arg6[%get3A_217] {strides = array<i32>} : memref<16384xi32, #tpu.memory_space<vmem>>, vector<16xi32>,
        %add3A_219 = arith.constant 8192 : i32
        %add3A_220 = arith.addi %add3A_219, %mul3A_177 : i32
        %add3A_221 = arith.constant 112 : i32
        %add3A_222 = arith.addi %add3A_220, %add3A_221 : i32
        %get3A_223 = arith.index_cast %add3A_222 : i32 to index
        %get3A_224 = tpu.vector_load %arg6[%get3A_223] {strides = array<i32>} : memref<16384xi32, #tpu.memory_space<vmem>>, vector<16xi32>,
        %add3A_225 = arith.constant 8192 : i32
        %add3A_226 = arith.addi %add3A_225, %mul3A_177 : i32
        %add3A_227 = arith.constant 128 : i32
        %add3A_228 = arith.addi %add3A_226, %add3A_227 : i32
        %get3A_229 = arith.index_cast %add3A_228 : i32 to index
        %get3A_230 = tpu.vector_load %arg6[%get3A_229] {strides = array<i32>} : memref<16384xi32, #tpu.memory_space<vmem>>, vector<16xi32>,
        %add3A_231 = arith.constant 8192 : i32
        %add3A_232 = arith.addi %add3A_231, %mul3A_177 : i32
        %add3A_233 = arith.constant 144 : i32
        %add3A_234 = arith.addi %add3A_232, %add3A_233 : i32
        %get3A_235 = arith.index_cast %add3A_234 : i32 to index
        %get3A_236 = tpu.vector_load %arg6[%get3A_235] {strides = array<i32>} : memref<16384xi32, #tpu.memory_space<vmem>>, vector<16xi32>,
        %add3A_237 = arith.constant 8192 : i32
        %add3A_238 = arith.addi %add3A_237, %mul3A_177 : i32
        %add3A_239 = arith.constant 160 : i32
        %add3A_240 = arith.addi %add3A_238, %add3A_239 : i32
        %get3A_241 = arith.index_cast %add3A_240 : i32 to index
        %get3A_242 = tpu.vector_load %arg6[%get3A_241] {strides = array<i32>} : memref<16384xi32, #tpu.memory_space<vmem>>, vector<16xi32>,
        %add3A_243 = arith.constant 8192 : i32
        %add3A_244 = arith.addi %add3A_243, %mul3A_177 : i32
        %add3A_245 = arith.constant 176 : i32
        %add3A_246 = arith.addi %add3A_244, %add3A_245 : i32
        %get3A_247 = arith.index_cast %add3A_246 : i32 to index
        %get3A_248 = tpu.vector_load %arg6[%get3A_247] {strides = array<i32>} : memref<16384xi32, #tpu.memory_space<vmem>>, vector<16xi32>,
        %add3A_249 = arith.constant 8192 : i32
        %add3A_250 = arith.addi %add3A_249, %mul3A_177 : i32
        %add3A_251 = arith.constant 192 : i32
        %add3A_252 = arith.addi %add3A_250, %add3A_251 : i32
        %get3A_253 = arith.index_cast %add3A_252 : i32 to index
        %get3A_254 = tpu.vector_load %arg6[%get3A_253] {strides = array<i32>} : memref<16384xi32, #tpu.memory_space<vmem>>, vector<16xi32>,
        %add3A_255 = arith.constant 8192 : i32
        %add3A_256 = arith.addi %add3A_255, %mul3A_177 : i32
        %add3A_257 = arith.constant 208 : i32
        %add3A_258 = arith.addi %add3A_256, %add3A_257 : i32
        %get3A_259 = arith.index_cast %add3A_258 : i32 to index
        %get3A_260 = tpu.vector_load %arg6[%get3A_259] {strides = array<i32>} : memref<16384xi32, #tpu.memory_space<vmem>>, vector<16xi32>,
        %add3A_261 = arith.constant 8192 : i32
        %add3A_262 = arith.addi %add3A_261, %mul3A_177 : i32
        %add3A_263 = arith.constant 224 : i32
        %add3A_264 = arith.addi %add3A_262, %add3A_263 : i32
        %get3A_265 = arith.index_cast %add3A_264 : i32 to index
        %get3A_266 = tpu.vector_load %arg6[%get3A_265] {strides = array<i32>} : memref<16384xi32, #tpu.memory_space<vmem>>, vector<16xi32>,
        %add3A_267 = arith.constant 8192 : i32
        %add3A_268 = arith.addi %add3A_267, %mul3A_177 : i32
        %add3A_269 = arith.constant 240 : i32
        %add3A_270 = arith.addi %add3A_268, %add3A_269 : i32
        %get3A_271 = arith.index_cast %add3A_270 : i32 to index
        %get3A_272 = tpu.vector_load %arg6[%get3A_271] {strides = array<i32>} : memref<16384xi32, #tpu.memory_space<vmem>>, vector<16xi32>,
        %gather3A = tpu.vector_load_idx %arg5[%get3A_182] : memref<100000xf32, #tpu.memory_space<vmem>>[vector<16xi32>], vector<16xf32>,
        %gather3A_273 = tpu.vector_load_idx %arg5[%get3A_188] : memref<100000xf32, #tpu.memory_space<vmem>>[vector<16xi32>], vector<16xf32>,
        %gather3A_274 = tpu.vector_load_idx %arg5[%get3A_194] : memref<100000xf32, #tpu.memory_space<vmem>>[vector<16xi32>], vector<16xf32>,
        %gather3A_275 = tpu.vector_load_idx %arg5[%get3A_200] : memref<100000xf32, #tpu.memory_space<vmem>>[vector<16xi32>], vector<16xf32>,
        %gather3A_276 = tpu.vector_load_idx %arg5[%get3A_206] : memref<100000xf32, #tpu.memory_space<vmem>>[vector<16xi32>], vector<16xf32>,
        %gather3A_277 = tpu.vector_load_idx %arg5[%get3A_212] : memref<100000xf32, #tpu.memory_space<vmem>>[vector<16xi32>], vector<16xf32>,
        %gather3A_278 = tpu.vector_load_idx %arg5[%get3A_218] : memref<100000xf32, #tpu.memory_space<vmem>>[vector<16xi32>], vector<16xf32>,
        %gather3A_279 = tpu.vector_load_idx %arg5[%get3A_224] : memref<100000xf32, #tpu.memory_space<vmem>>[vector<16xi32>], vector<16xf32>,
        %gather3A_280 = tpu.vector_load_idx %arg5[%get3A_230] : memref<100000xf32, #tpu.memory_space<vmem>>[vector<16xi32>], vector<16xf32>,
        %gather3A_281 = tpu.vector_load_idx %arg5[%get3A_236] : memref<100000xf32, #tpu.memory_space<vmem>>[vector<16xi32>], vector<16xf32>,
        %gather3A_282 = tpu.vector_load_idx %arg5[%get3A_242] : memref<100000xf32, #tpu.memory_space<vmem>>[vector<16xi32>], vector<16xf32>,
        %gather3A_283 = tpu.vector_load_idx %arg5[%get3A_248] : memref<100000xf32, #tpu.memory_space<vmem>>[vector<16xi32>], vector<16xf32>,
        %gather3A_284 = tpu.vector_load_idx %arg5[%get3A_254] : memref<100000xf32, #tpu.memory_space<vmem>>[vector<16xi32>], vector<16xf32>,
        %gather3A_285 = tpu.vector_load_idx %arg5[%get3A_260] : memref<100000xf32, #tpu.memory_space<vmem>>[vector<16xi32>], vector<16xf32>,
        %gather3A_286 = tpu.vector_load_idx %arg5[%get3A_266] : memref<100000xf32, #tpu.memory_space<vmem>>[vector<16xi32>], vector<16xf32>,
        %gather3A_287 = tpu.vector_load_idx %arg5[%get3A_272] : memref<100000xf32, #tpu.memory_space<vmem>>[vector<16xi32>], vector<16xf32>,
        %add3A_288 = arith.constant 0 : i32
        %add3A_289 = arith.addi %mul3A_177, %add3A_288 : i32
        %swap3A = arith.index_cast %add3A_289 : i32 to index
        %swap3A_290 = tpu.vector_load %arg7[%swap3A] {strides = array<i32>} : memref<4096xf32, #tpu.memory_space<vmem>>, vector<16xf32>,
        tpu.vector_store %arg7[%swap3A], %gather3A {strides = array<i32>} : memref<4096xf32, #tpu.memory_space<vmem>>, vector<16xf32>,
        %add3A_291 = arith.constant 16 : i32
        %add3A_292 = arith.addi %mul3A_177, %add3A_291 : i32
        %swap3A_293 = arith.index_cast %add3A_292 : i32 to index
        %swap3A_294 = tpu.vector_load %arg7[%swap3A_293] {strides = array<i32>} : memref<4096xf32, #tpu.memory_space<vmem>>, vector<16xf32>,
        tpu.vector_store %arg7[%swap3A_293], %gather3A_273 {strides = array<i32>} : memref<4096xf32, #tpu.memory_space<vmem>>, vector<16xf32>,
        %add3A_295 = arith.constant 32 : i32
        %add3A_296 = arith.addi %mul3A_177, %add3A_295 : i32
        %swap3A_297 = arith.index_cast %add3A_296 : i32 to index
        %swap3A_298 = tpu.vector_load %arg7[%swap3A_297] {strides = array<i32>} : memref<4096xf32, #tpu.memory_space<vmem>>, vector<16xf32>,
        tpu.vector_store %arg7[%swap3A_297], %gather3A_274 {strides = array<i32>} : memref<4096xf32, #tpu.memory_space<vmem>>, vector<16xf32>,
        %add3A_299 = arith.constant 48 : i32
        %add3A_300 = arith.addi %mul3A_177, %add3A_299 : i32
        %swap3A_301 = arith.index_cast %add3A_300 : i32 to index
        %swap3A_302 = tpu.vector_load %arg7[%swap3A_301] {strides = array<i32>} : memref<4096xf32, #tpu.memory_space<vmem>>, vector<16xf32>,
        tpu.vector_store %arg7[%swap3A_301], %gather3A_275 {strides = array<i32>} : memref<4096xf32, #tpu.memory_space<vmem>>, vector<16xf32>,
        %add3A_303 = arith.constant 64 : i32
        %add3A_304 = arith.addi %mul3A_177, %add3A_303 : i32
        %swap3A_305 = arith.index_cast %add3A_304 : i32 to index
        %swap3A_306 = tpu.vector_load %arg7[%swap3A_305] {strides = array<i32>} : memref<4096xf32, #tpu.memory_space<vmem>>, vector<16xf32>,
        tpu.vector_store %arg7[%swap3A_305], %gather3A_276 {strides = array<i32>} : memref<4096xf32, #tpu.memory_space<vmem>>, vector<16xf32>,
        %add3A_307 = arith.constant 80 : i32
        %add3A_308 = arith.addi %mul3A_177, %add3A_307 : i32
        %swap3A_309 = arith.index_cast %add3A_308 : i32 to index
        %swap3A_310 = tpu.vector_load %arg7[%swap3A_309] {strides = array<i32>} : memref<4096xf32, #tpu.memory_space<vmem>>, vector<16xf32>,
        tpu.vector_store %arg7[%swap3A_309], %gather3A_277 {strides = array<i32>} : memref<4096xf32, #tpu.memory_space<vmem>>, vector<16xf32>,
        %add3A_311 = arith.constant 96 : i32
        %add3A_312 = arith.addi %mul3A_177, %add3A_311 : i32
        %swap3A_313 = arith.index_cast %add3A_312 : i32 to index
        %swap3A_314 = tpu.vector_load %arg7[%swap3A_313] {strides = array<i32>} : memref<4096xf32, #tpu.memory_space<vmem>>, vector<16xf32>,
        tpu.vector_store %arg7[%swap3A_313], %gather3A_278 {strides = array<i32>} : memref<4096xf32, #tpu.memory_space<vmem>>, vector<16xf32>,
        %add3A_315 = arith.constant 112 : i32
        %add3A_316 = arith.addi %mul3A_177, %add3A_315 : i32
        %swap3A_317 = arith.index_cast %add3A_316 : i32 to index
        %swap3A_318 = tpu.vector_load %arg7[%swap3A_317] {strides = array<i32>} : memref<4096xf32, #tpu.memory_space<vmem>>, vector<16xf32>,
        tpu.vector_store %arg7[%swap3A_317], %gather3A_279 {strides = array<i32>} : memref<4096xf32, #tpu.memory_space<vmem>>, vector<16xf32>,
        %add3A_319 = arith.constant 128 : i32
        %add3A_320 = arith.addi %mul3A_177, %add3A_319 : i32
        %swap3A_321 = arith.index_cast %add3A_320 : i32 to index
        %swap3A_322 = tpu.vector_load %arg7[%swap3A_321] {strides = array<i32>} : memref<4096xf32, #tpu.memory_space<vmem>>, vector<16xf32>,
        tpu.vector_store %arg7[%swap3A_321], %gather3A_280 {strides = array<i32>} : memref<4096xf32, #tpu.memory_space<vmem>>, vector<16xf32>,
        %add3A_323 = arith.constant 144 : i32
        %add3A_324 = arith.addi %mul3A_177, %add3A_323 : i32
        %swap3A_325 = arith.index_cast %add3A_324 : i32 to index
        %swap3A_326 = tpu.vector_load %arg7[%swap3A_325] {strides = array<i32>} : memref<4096xf32, #tpu.memory_space<vmem>>, vector<16xf32>,
        tpu.vector_store %arg7[%swap3A_325], %gather3A_281 {strides = array<i32>} : memref<4096xf32, #tpu.memory_space<vmem>>, vector<16xf32>,
        %add3A_327 = arith.constant 160 : i32
        %add3A_328 = arith.addi %mul3A_177, %add3A_327 : i32
        %swap3A_329 = arith.index_cast %add3A_328 : i32 to index
        %swap3A_330 = tpu.vector_load %arg7[%swap3A_329] {strides = array<i32>} : memref<4096xf32, #tpu.memory_space<vmem>>, vector<16xf32>,
        tpu.vector_store %arg7[%swap3A_329], %gather3A_282 {strides = array<i32>} : memref<4096xf32, #tpu.memory_space<vmem>>, vector<16xf32>,
        %add3A_331 = arith.constant 176 : i32
        %add3A_332 = arith.addi %mul3A_177, %add3A_331 : i32
        %swap3A_333 = arith.index_cast %add3A_332 : i32 to index
        %swap3A_334 = tpu.vector_load %arg7[%swap3A_333] {strides = array<i32>} : memref<4096xf32, #tpu.memory_space<vmem>>, vector<16xf32>,
        tpu.vector_store %arg7[%swap3A_333], %gather3A_283 {strides = array<i32>} : memref<4096xf32, #tpu.memory_space<vmem>>, vector<16xf32>,
        %add3A_335 = arith.constant 192 : i32
        %add3A_336 = arith.addi %mul3A_177, %add3A_335 : i32
        %swap3A_337 = arith.index_cast %add3A_336 : i32 to index
        %swap3A_338 = tpu.vector_load %arg7[%swap3A_337] {strides = array<i32>} : memref<4096xf32, #tpu.memory_space<vmem>>, vector<16xf32>,
        tpu.vector_store %arg7[%swap3A_337], %gather3A_284 {strides = array<i32>} : memref<4096xf32, #tpu.memory_space<vmem>>, vector<16xf32>,
        %add3A_339 = arith.constant 208 : i32
        %add3A_340 = arith.addi %mul3A_177, %add3A_339 : i32
        %swap3A_341 = arith.index_cast %add3A_340 : i32 to index
        %swap3A_342 = tpu.vector_load %arg7[%swap3A_341] {strides = array<i32>} : memref<4096xf32, #tpu.memory_space<vmem>>, vector<16xf32>,
        tpu.vector_store %arg7[%swap3A_341], %gather3A_285 {strides = array<i32>} : memref<4096xf32, #tpu.memory_space<vmem>>, vector<16xf32>,
        %add3A_343 = arith.constant 224 : i32
        %add3A_344 = arith.addi %mul3A_177, %add3A_343 : i32
        %swap3A_345 = arith.index_cast %add3A_344 : i32 to index
        %swap3A_346 = tpu.vector_load %arg7[%swap3A_345] {strides = array<i32>} : memref<4096xf32, #tpu.memory_space<vmem>>, vector<16xf32>,
        tpu.vector_store %arg7[%swap3A_345], %gather3A_286 {strides = array<i32>} : memref<4096xf32, #tpu.memory_space<vmem>>, vector<16xf32>,
        %add3A_347 = arith.constant 240 : i32
        %add3A_348 = arith.addi %mul3A_177, %add3A_347 : i32
        %swap3A_349 = arith.index_cast %add3A_348 : i32 to index
        %swap3A_350 = tpu.vector_load %arg7[%swap3A_349] {strides = array<i32>} : memref<4096xf32, #tpu.memory_space<vmem>>, vector<16xf32>,
        tpu.vector_store %arg7[%swap3A_349], %gather3A_287 {strides = array<i32>} : memref<4096xf32, #tpu.memory_space<vmem>>, vector<16xf32>,
      }
      %scan3A_129 = arith.constant 16 : i32
      %dma_start3A_130 = arith.constant 8192 : i32
      %dma_start3A_131 = tpu.memref_slice %arg4[%add3A_46, %dma_start3A_130] : memref<832x16384xf32, #tpu.memory_space<hbm>> -> memref<1x4096xf32, #tpu.memory_space<hbm>>
      %dma_start3A_132 = tpu.memref_squeeze %dma_start3A_131 : memref<1x4096xf32, #tpu.memory_space<hbm>> -> memref<4096xf32, #tpu.memory_space<hbm>>
      %dma_start3A_133 = arith.constant 8192 : i32
      %dma_start3A_134 = tpu.memref_slice %arg4[%add3A_46, %dma_start3A_133] : memref<832x16384xf32, #tpu.memory_space<hbm>> -> memref<1x4096xf32, #tpu.memory_space<hbm>>
      %dma_start3A_135 = tpu.memref_squeeze %dma_start3A_134 : memref<1x4096xf32, #tpu.memory_space<hbm>> -> memref<4096xf32, #tpu.memory_space<hbm>>
      tpu.enqueue_dma source(%arg7 : memref<4096xf32, #tpu.memory_space<vmem>>) target(%dma_start3A_135 : memref<4096xf32, #tpu.memory_space<hbm>>) target_semaphore(%arg9 : memref<!tpu.dma_semaphore, #tpu.memory_space<semaphore_mem>>)
      %dma_wait3A_136 = arith.constant 4096 : i32
      %dma_wait3A_137 = tpu.memref_slice %arg4[%add3A_46, %dma_wait3A_136] : memref<832x16384xf32, #tpu.memory_space<hbm>> -> memref<1x4096xf32, #tpu.memory_space<hbm>>
      %dma_wait3A_138 = tpu.memref_squeeze %dma_wait3A_137 : memref<1x4096xf32, #tpu.memory_space<hbm>> -> memref<4096xf32, #tpu.memory_space<hbm>>
      %dma_wait3A_139 = arith.constant 4096 : i32
      %dma_wait3A_140 = tpu.memref_slice %arg4[%add3A_46, %dma_wait3A_139] : memref<832x16384xf32, #tpu.memory_space<hbm>> -> memref<1x4096xf32, #tpu.memory_space<hbm>>
      %dma_wait3A_141 = tpu.memref_squeeze %dma_wait3A_140 : memref<1x4096xf32, #tpu.memory_space<hbm>> -> memref<4096xf32, #tpu.memory_space<hbm>>
      tpu.wait_dma2 semaphore(%arg10 : memref<!tpu.dma_semaphore, #tpu.memory_space<semaphore_mem>>) src(%arg8 : memref<4096xf32, #tpu.memory_space<vmem>>) dst(%dma_wait3A_141 : memref<4096xf32, #tpu.memory_space<hbm>>)
      %scan3A_142 = arith.constant 0 : i32
      %scan3A_143 = arith.constant 0 : i32
      %scan3A_144 = arith.constant 16 : i32
      %scan3A_145 = arith.addi %scan3A_143, %scan3A_144 : i32
      %scan3A_146 = arith.constant 1 : i32
      scf.for %scan3A_173 = %scan3A_143 to %scan3A_145 step %scan3A_146  : i32 {
        %mul3A_174 = arith.constant 16 : i32
        %mul3A_175 = arith.muli %scan3A_173, %mul3A_174 : i32
        %mul3A_176 = arith.constant 16 : i32
        %mul3A_177 = arith.muli %mul3A_175, %mul3A_176 : i32
        %add3A_178 = arith.constant 12288 : i32
        %add3A_179 = arith.addi %add3A_178, %mul3A_177 : i32
        %add3A_180 = arith.constant 0 : i32
        %add3A_181 = arith.addi %add3A_179, %add3A_180 : i32
        %get3A = arith.index_cast %add3A_181 : i32 to index
        %get3A_182 = tpu.vector_load %arg6[%get3A] {strides = array<i32>} : memref<16384xi32, #tpu.memory_space<vmem>>, vector<16xi32>,
        %add3A_183 = arith.constant 12288 : i32
        %add3A_184 = arith.addi %add3A_183, %mul3A_177 : i32
        %add3A_185 = arith.constant 16 : i32
        %add3A_186 = arith.addi %add3A_184, %add3A_185 : i32
        %get3A_187 = arith.index_cast %add3A_186 : i32 to index
        %get3A_188 = tpu.vector_load %arg6[%get3A_187] {strides = array<i32>} : memref<16384xi32, #tpu.memory_space<vmem>>, vector<16xi32>,
        %add3A_189 = arith.constant 12288 : i32
        %add3A_190 = arith.addi %add3A_189, %mul3A_177 : i32
        %add3A_191 = arith.constant 32 : i32
        %add3A_192 = arith.addi %add3A_190, %add3A_191 : i32
        %get3A_193 = arith.index_cast %add3A_192 : i32 to index
        %get3A_194 = tpu.vector_load %arg6[%get3A_193] {strides = array<i32>} : memref<16384xi32, #tpu.memory_space<vmem>>, vector<16xi32>,
        %add3A_195 = arith.constant 12288 : i32
        %add3A_196 = arith.addi %add3A_195, %mul3A_177 : i32
        %add3A_197 = arith.constant 48 : i32
        %add3A_198 = arith.addi %add3A_196, %add3A_197 : i32
        %get3A_199 = arith.index_cast %add3A_198 : i32 to index
        %get3A_200 = tpu.vector_load %arg6[%get3A_199] {strides = array<i32>} : memref<16384xi32, #tpu.memory_space<vmem>>, vector<16xi32>,
        %add3A_201 = arith.constant 12288 : i32
        %add3A_202 = arith.addi %add3A_201, %mul3A_177 : i32
        %add3A_203 = arith.constant 64 : i32
        %add3A_204 = arith.addi %add3A_202, %add3A_203 : i32
        %get3A_205 = arith.index_cast %add3A_204 : i32 to index
        %get3A_206 = tpu.vector_load %arg6[%get3A_205] {strides = array<i32>} : memref<16384xi32, #tpu.memory_space<vmem>>, vector<16xi32>,
        %add3A_207 = arith.constant 12288 : i32
        %add3A_208 = arith.addi %add3A_207, %mul3A_177 : i32
        %add3A_209 = arith.constant 80 : i32
        %add3A_210 = arith.addi %add3A_208, %add3A_209 : i32
        %get3A_211 = arith.index_cast %add3A_210 : i32 to index
        %get3A_212 = tpu.vector_load %arg6[%get3A_211] {strides = array<i32>} : memref<16384xi32, #tpu.memory_space<vmem>>, vector<16xi32>,
        %add3A_213 = arith.constant 12288 : i32
        %add3A_214 = arith.addi %add3A_213, %mul3A_177 : i32
        %add3A_215 = arith.constant 96 : i32
        %add3A_216 = arith.addi %add3A_214, %add3A_215 : i32
        %get3A_217 = arith.index_cast %add3A_216 : i32 to index
        %get3A_218 = tpu.vector_load %arg6[%get3A_217] {strides = array<i32>} : memref<16384xi32, #tpu.memory_space<vmem>>, vector<16xi32>,
        %add3A_219 = arith.constant 12288 : i32
        %add3A_220 = arith.addi %add3A_219, %mul3A_177 : i32
        %add3A_221 = arith.constant 112 : i32
        %add3A_222 = arith.addi %add3A_220, %add3A_221 : i32
        %get3A_223 = arith.index_cast %add3A_222 : i32 to index
        %get3A_224 = tpu.vector_load %arg6[%get3A_223] {strides = array<i32>} : memref<16384xi32, #tpu.memory_space<vmem>>, vector<16xi32>,
        %add3A_225 = arith.constant 12288 : i32
        %add3A_226 = arith.addi %add3A_225, %mul3A_177 : i32
        %add3A_227 = arith.constant 128 : i32
        %add3A_228 = arith.addi %add3A_226, %add3A_227 : i32
        %get3A_229 = arith.index_cast %add3A_228 : i32 to index
        %get3A_230 = tpu.vector_load %arg6[%get3A_229] {strides = array<i32>} : memref<16384xi32, #tpu.memory_space<vmem>>, vector<16xi32>,
        %add3A_231 = arith.constant 12288 : i32
        %add3A_232 = arith.addi %add3A_231, %mul3A_177 : i32
        %add3A_233 = arith.constant 144 : i32
        %add3A_234 = arith.addi %add3A_232, %add3A_233 : i32
        %get3A_235 = arith.index_cast %add3A_234 : i32 to index
        %get3A_236 = tpu.vector_load %arg6[%get3A_235] {strides = array<i32>} : memref<16384xi32, #tpu.memory_space<vmem>>, vector<16xi32>,
        %add3A_237 = arith.constant 12288 : i32
        %add3A_238 = arith.addi %add3A_237, %mul3A_177 : i32
        %add3A_239 = arith.constant 160 : i32
        %add3A_240 = arith.addi %add3A_238, %add3A_239 : i32
        %get3A_241 = arith.index_cast %add3A_240 : i32 to index
        %get3A_242 = tpu.vector_load %arg6[%get3A_241] {strides = array<i32>} : memref<16384xi32, #tpu.memory_space<vmem>>, vector<16xi32>,
        %add3A_243 = arith.constant 12288 : i32
        %add3A_244 = arith.addi %add3A_243, %mul3A_177 : i32
        %add3A_245 = arith.constant 176 : i32
        %add3A_246 = arith.addi %add3A_244, %add3A_245 : i32
        %get3A_247 = arith.index_cast %add3A_246 : i32 to index
        %get3A_248 = tpu.vector_load %arg6[%get3A_247] {strides = array<i32>} : memref<16384xi32, #tpu.memory_space<vmem>>, vector<16xi32>,
        %add3A_249 = arith.constant 12288 : i32
        %add3A_250 = arith.addi %add3A_249, %mul3A_177 : i32
        %add3A_251 = arith.constant 192 : i32
        %add3A_252 = arith.addi %add3A_250, %add3A_251 : i32
        %get3A_253 = arith.index_cast %add3A_252 : i32 to index
        %get3A_254 = tpu.vector_load %arg6[%get3A_253] {strides = array<i32>} : memref<16384xi32, #tpu.memory_space<vmem>>, vector<16xi32>,
        %add3A_255 = arith.constant 12288 : i32
        %add3A_256 = arith.addi %add3A_255, %mul3A_177 : i32
        %add3A_257 = arith.constant 208 : i32
        %add3A_258 = arith.addi %add3A_256, %add3A_257 : i32
        %get3A_259 = arith.index_cast %add3A_258 : i32 to index
        %get3A_260 = tpu.vector_load %arg6[%get3A_259] {strides = array<i32>} : memref<16384xi32, #tpu.memory_space<vmem>>, vector<16xi32>,
        %add3A_261 = arith.constant 12288 : i32
        %add3A_262 = arith.addi %add3A_261, %mul3A_177 : i32
        %add3A_263 = arith.constant 224 : i32
        %add3A_264 = arith.addi %add3A_262, %add3A_263 : i32
        %get3A_265 = arith.index_cast %add3A_264 : i32 to index
        %get3A_266 = tpu.vector_load %arg6[%get3A_265] {strides = array<i32>} : memref<16384xi32, #tpu.memory_space<vmem>>, vector<16xi32>,
        %add3A_267 = arith.constant 12288 : i32
        %add3A_268 = arith.addi %add3A_267, %mul3A_177 : i32
        %add3A_269 = arith.constant 240 : i32
        %add3A_270 = arith.addi %add3A_268, %add3A_269 : i32
        %get3A_271 = arith.index_cast %add3A_270 : i32 to index
        %get3A_272 = tpu.vector_load %arg6[%get3A_271] {strides = array<i32>} : memref<16384xi32, #tpu.memory_space<vmem>>, vector<16xi32>,
        %gather3A = tpu.vector_load_idx %arg5[%get3A_182] : memref<100000xf32, #tpu.memory_space<vmem>>[vector<16xi32>], vector<16xf32>,
        %gather3A_273 = tpu.vector_load_idx %arg5[%get3A_188] : memref<100000xf32, #tpu.memory_space<vmem>>[vector<16xi32>], vector<16xf32>,
        %gather3A_274 = tpu.vector_load_idx %arg5[%get3A_194] : memref<100000xf32, #tpu.memory_space<vmem>>[vector<16xi32>], vector<16xf32>,
        %gather3A_275 = tpu.vector_load_idx %arg5[%get3A_200] : memref<100000xf32, #tpu.memory_space<vmem>>[vector<16xi32>], vector<16xf32>,
        %gather3A_276 = tpu.vector_load_idx %arg5[%get3A_206] : memref<100000xf32, #tpu.memory_space<vmem>>[vector<16xi32>], vector<16xf32>,
        %gather3A_277 = tpu.vector_load_idx %arg5[%get3A_212] : memref<100000xf32, #tpu.memory_space<vmem>>[vector<16xi32>], vector<16xf32>,
        %gather3A_278 = tpu.vector_load_idx %arg5[%get3A_218] : memref<100000xf32, #tpu.memory_space<vmem>>[vector<16xi32>], vector<16xf32>,
        %gather3A_279 = tpu.vector_load_idx %arg5[%get3A_224] : memref<100000xf32, #tpu.memory_space<vmem>>[vector<16xi32>], vector<16xf32>,
        %gather3A_280 = tpu.vector_load_idx %arg5[%get3A_230] : memref<100000xf32, #tpu.memory_space<vmem>>[vector<16xi32>], vector<16xf32>,
        %gather3A_281 = tpu.vector_load_idx %arg5[%get3A_236] : memref<100000xf32, #tpu.memory_space<vmem>>[vector<16xi32>], vector<16xf32>,
        %gather3A_282 = tpu.vector_load_idx %arg5[%get3A_242] : memref<100000xf32, #tpu.memory_space<vmem>>[vector<16xi32>], vector<16xf32>,
        %gather3A_283 = tpu.vector_load_idx %arg5[%get3A_248] : memref<100000xf32, #tpu.memory_space<vmem>>[vector<16xi32>], vector<16xf32>,
        %gather3A_284 = tpu.vector_load_idx %arg5[%get3A_254] : memref<100000xf32, #tpu.memory_space<vmem>>[vector<16xi32>], vector<16xf32>,
        %gather3A_285 = tpu.vector_load_idx %arg5[%get3A_260] : memref<100000xf32, #tpu.memory_space<vmem>>[vector<16xi32>], vector<16xf32>,
        %gather3A_286 = tpu.vector_load_idx %arg5[%get3A_266] : memref<100000xf32, #tpu.memory_space<vmem>>[vector<16xi32>], vector<16xf32>,
        %gather3A_287 = tpu.vector_load_idx %arg5[%get3A_272] : memref<100000xf32, #tpu.memory_space<vmem>>[vector<16xi32>], vector<16xf32>,
        %add3A_288 = arith.constant 0 : i32
        %add3A_289 = arith.addi %mul3A_177, %add3A_288 : i32
        %swap3A = arith.index_cast %add3A_289 : i32 to index
        %swap3A_290 = tpu.vector_load %arg8[%swap3A] {strides = array<i32>} : memref<4096xf32, #tpu.memory_space<vmem>>, vector<16xf32>,
        tpu.vector_store %arg8[%swap3A], %gather3A {strides = array<i32>} : memref<4096xf32, #tpu.memory_space<vmem>>, vector<16xf32>,
        %add3A_291 = arith.constant 16 : i32
        %add3A_292 = arith.addi %mul3A_177, %add3A_291 : i32
        %swap3A_293 = arith.index_cast %add3A_292 : i32 to index
        %swap3A_294 = tpu.vector_load %arg8[%swap3A_293] {strides = array<i32>} : memref<4096xf32, #tpu.memory_space<vmem>>, vector<16xf32>,
        tpu.vector_store %arg8[%swap3A_293], %gather3A_273 {strides = array<i32>} : memref<4096xf32, #tpu.memory_space<vmem>>, vector<16xf32>,
        %add3A_295 = arith.constant 32 : i32
        %add3A_296 = arith.addi %mul3A_177, %add3A_295 : i32
        %swap3A_297 = arith.index_cast %add3A_296 : i32 to index
        %swap3A_298 = tpu.vector_load %arg8[%swap3A_297] {strides = array<i32>} : memref<4096xf32, #tpu.memory_space<vmem>>, vector<16xf32>,
        tpu.vector_store %arg8[%swap3A_297], %gather3A_274 {strides = array<i32>} : memref<4096xf32, #tpu.memory_space<vmem>>, vector<16xf32>,
        %add3A_299 = arith.constant 48 : i32
        %add3A_300 = arith.addi %mul3A_177, %add3A_299 : i32
        %swap3A_301 = arith.index_cast %add3A_300 : i32 to index
        %swap3A_302 = tpu.vector_load %arg8[%swap3A_301] {strides = array<i32>} : memref<4096xf32, #tpu.memory_space<vmem>>, vector<16xf32>,
        tpu.vector_store %arg8[%swap3A_301], %gather3A_275 {strides = array<i32>} : memref<4096xf32, #tpu.memory_space<vmem>>, vector<16xf32>,
        %add3A_303 = arith.constant 64 : i32
        %add3A_304 = arith.addi %mul3A_177, %add3A_303 : i32
        %swap3A_305 = arith.index_cast %add3A_304 : i32 to index
        %swap3A_306 = tpu.vector_load %arg8[%swap3A_305] {strides = array<i32>} : memref<4096xf32, #tpu.memory_space<vmem>>, vector<16xf32>,
        tpu.vector_store %arg8[%swap3A_305], %gather3A_276 {strides = array<i32>} : memref<4096xf32, #tpu.memory_space<vmem>>, vector<16xf32>,
        %add3A_307 = arith.constant 80 : i32
        %add3A_308 = arith.addi %mul3A_177, %add3A_307 : i32
        %swap3A_309 = arith.index_cast %add3A_308 : i32 to index
        %swap3A_310 = tpu.vector_load %arg8[%swap3A_309] {strides = array<i32>} : memref<4096xf32, #tpu.memory_space<vmem>>, vector<16xf32>,
        tpu.vector_store %arg8[%swap3A_309], %gather3A_277 {strides = array<i32>} : memref<4096xf32, #tpu.memory_space<vmem>>, vector<16xf32>,
        %add3A_311 = arith.constant 96 : i32
        %add3A_312 = arith.addi %mul3A_177, %add3A_311 : i32
        %swap3A_313 = arith.index_cast %add3A_312 : i32 to index
        %swap3A_314 = tpu.vector_load %arg8[%swap3A_313] {strides = array<i32>} : memref<4096xf32, #tpu.memory_space<vmem>>, vector<16xf32>,
        tpu.vector_store %arg8[%swap3A_313], %gather3A_278 {strides = array<i32>} : memref<4096xf32, #tpu.memory_space<vmem>>, vector<16xf32>,
        %add3A_315 = arith.constant 112 : i32
        %add3A_316 = arith.addi %mul3A_177, %add3A_315 : i32
        %swap3A_317 = arith.index_cast %add3A_316 : i32 to index
        %swap3A_318 = tpu.vector_load %arg8[%swap3A_317] {strides = array<i32>} : memref<4096xf32, #tpu.memory_space<vmem>>, vector<16xf32>,
        tpu.vector_store %arg8[%swap3A_317], %gather3A_279 {strides = array<i32>} : memref<4096xf32, #tpu.memory_space<vmem>>, vector<16xf32>,
        %add3A_319 = arith.constant 128 : i32
        %add3A_320 = arith.addi %mul3A_177, %add3A_319 : i32
        %swap3A_321 = arith.index_cast %add3A_320 : i32 to index
        %swap3A_322 = tpu.vector_load %arg8[%swap3A_321] {strides = array<i32>} : memref<4096xf32, #tpu.memory_space<vmem>>, vector<16xf32>,
        tpu.vector_store %arg8[%swap3A_321], %gather3A_280 {strides = array<i32>} : memref<4096xf32, #tpu.memory_space<vmem>>, vector<16xf32>,
        %add3A_323 = arith.constant 144 : i32
        %add3A_324 = arith.addi %mul3A_177, %add3A_323 : i32
        %swap3A_325 = arith.index_cast %add3A_324 : i32 to index
        %swap3A_326 = tpu.vector_load %arg8[%swap3A_325] {strides = array<i32>} : memref<4096xf32, #tpu.memory_space<vmem>>, vector<16xf32>,
        tpu.vector_store %arg8[%swap3A_325], %gather3A_281 {strides = array<i32>} : memref<4096xf32, #tpu.memory_space<vmem>>, vector<16xf32>,
        %add3A_327 = arith.constant 160 : i32
        %add3A_328 = arith.addi %mul3A_177, %add3A_327 : i32
        %swap3A_329 = arith.index_cast %add3A_328 : i32 to index
        %swap3A_330 = tpu.vector_load %arg8[%swap3A_329] {strides = array<i32>} : memref<4096xf32, #tpu.memory_space<vmem>>, vector<16xf32>,
        tpu.vector_store %arg8[%swap3A_329], %gather3A_282 {strides = array<i32>} : memref<4096xf32, #tpu.memory_space<vmem>>, vector<16xf32>,
        %add3A_331 = arith.constant 176 : i32
        %add3A_332 = arith.addi %mul3A_177, %add3A_331 : i32
        %swap3A_333 = arith.index_cast %add3A_332 : i32 to index
        %swap3A_334 = tpu.vector_load %arg8[%swap3A_333] {strides = array<i32>} : memref<4096xf32, #tpu.memory_space<vmem>>, vector<16xf32>,
        tpu.vector_store %arg8[%swap3A_333], %gather3A_283 {strides = array<i32>} : memref<4096xf32, #tpu.memory_space<vmem>>, vector<16xf32>,
        %add3A_335 = arith.constant 192 : i32
        %add3A_336 = arith.addi %mul3A_177, %add3A_335 : i32
        %swap3A_337 = arith.index_cast %add3A_336 : i32 to index
        %swap3A_338 = tpu.vector_load %arg8[%swap3A_337] {strides = array<i32>} : memref<4096xf32, #tpu.memory_space<vmem>>, vector<16xf32>,
        tpu.vector_store %arg8[%swap3A_337], %gather3A_284 {strides = array<i32>} : memref<4096xf32, #tpu.memory_space<vmem>>, vector<16xf32>,
        %add3A_339 = arith.constant 208 : i32
        %add3A_340 = arith.addi %mul3A_177, %add3A_339 : i32
        %swap3A_341 = arith.index_cast %add3A_340 : i32 to index
        %swap3A_342 = tpu.vector_load %arg8[%swap3A_341] {strides = array<i32>} : memref<4096xf32, #tpu.memory_space<vmem>>, vector<16xf32>,
        tpu.vector_store %arg8[%swap3A_341], %gather3A_285 {strides = array<i32>} : memref<4096xf32, #tpu.memory_space<vmem>>, vector<16xf32>,
        %add3A_343 = arith.constant 224 : i32
        %add3A_344 = arith.addi %mul3A_177, %add3A_343 : i32
        %swap3A_345 = arith.index_cast %add3A_344 : i32 to index
        %swap3A_346 = tpu.vector_load %arg8[%swap3A_345] {strides = array<i32>} : memref<4096xf32, #tpu.memory_space<vmem>>, vector<16xf32>,
        tpu.vector_store %arg8[%swap3A_345], %gather3A_286 {strides = array<i32>} : memref<4096xf32, #tpu.memory_space<vmem>>, vector<16xf32>,
        %add3A_347 = arith.constant 240 : i32
        %add3A_348 = arith.addi %mul3A_177, %add3A_347 : i32
        %swap3A_349 = arith.index_cast %add3A_348 : i32 to index
        %swap3A_350 = tpu.vector_load %arg8[%swap3A_349] {strides = array<i32>} : memref<4096xf32, #tpu.memory_space<vmem>>, vector<16xf32>,
        tpu.vector_store %arg8[%swap3A_349], %gather3A_287 {strides = array<i32>} : memref<4096xf32, #tpu.memory_space<vmem>>, vector<16xf32>,
      }
      %scan3A_147 = arith.constant 16 : i32
      %dma_start3A_148 = arith.constant 12288 : i32
      %dma_start3A_149 = tpu.memref_slice %arg4[%add3A_46, %dma_start3A_148] : memref<832x16384xf32, #tpu.memory_space<hbm>> -> memref<1x4096xf32, #tpu.memory_space<hbm>>
      %dma_start3A_150 = tpu.memref_squeeze %dma_start3A_149 : memref<1x4096xf32, #tpu.memory_space<hbm>> -> memref<4096xf32, #tpu.memory_space<hbm>>
      %dma_start3A_151 = arith.constant 12288 : i32
      %dma_start3A_152 = tpu.memref_slice %arg4[%add3A_46, %dma_start3A_151] : memref<832x16384xf32, #tpu.memory_space<hbm>> -> memref<1x4096xf32, #tpu.memory_space<hbm>>
      %dma_start3A_153 = tpu.memref_squeeze %dma_start3A_152 : memref<1x4096xf32, #tpu.memory_space<hbm>> -> memref<4096xf32, #tpu.memory_space<hbm>>
      tpu.enqueue_dma source(%arg8 : memref<4096xf32, #tpu.memory_space<vmem>>) target(%dma_start3A_153 : memref<4096xf32, #tpu.memory_space<hbm>>) target_semaphore(%arg10 : memref<!tpu.dma_semaphore, #tpu.memory_space<semaphore_mem>>)
      %add3A_154 = arith.constant 1 : i32
      %add3A_155 = arith.addi %scan3A_44, %add3A_154 : i32
      %lt3A_156 = arith.constant 26 : i32
      %lt3A_157 = arith.cmpi slt, %add3A_155, %lt3A_156 : i32
      %convert_element_type3A_158 = arith.extui %lt3A_157 : i1 to i32
      %cond3A_159 = arith.constant 0 : i32
      %cond3A_160 = arith.cmpi ne, %convert_element_type3A_158, %cond3A_159 : i32
      scf.if %cond3A_160 {
        %add3A_173 = arith.constant 1 : i32
        %add3A_174 = arith.addi %add3A_46, %add3A_173 : i32
        %jit3A_175 = arith.constant 32 : i32
        %div3A_176 = arith.divsi %add3A_174, %jit3A_175 : i32
        %sign3A_177 = arith.constant 0 : i32
        %sign3A_178 = arith.cmpi sgt, %add3A_174, %sign3A_177 : i32
        %sign3A_179 = arith.extui %sign3A_178 : i1 to i32
        %sign3A_180 = arith.constant 0 : i32
        %sign3A_181 = arith.cmpi slt, %add3A_174, %sign3A_180 : i32
        %sign3A_182 = arith.extui %sign3A_181 : i1 to i32
        %sign3A_183 = arith.subi %sign3A_179, %sign3A_182 : i32
        %sign3A_184 = arith.constant 0 : i32
        %sign3A_185 = arith.cmpi sgt, %jit3A_175, %sign3A_184 : i32
        %sign3A_186 = arith.extui %sign3A_185 : i1 to i32
        %sign3A_187 = arith.constant 0 : i32
        %sign3A_188 = arith.cmpi slt, %jit3A_175, %sign3A_187 : i32
        %sign3A_189 = arith.extui %sign3A_188 : i1 to i32
        %sign3A_190 = arith.subi %sign3A_186, %sign3A_189 : i32
        %ne3A_191 = arith.cmpi ne, %sign3A_183, %sign3A_190 : i32
        %rem3A_192 = arith.remsi %add3A_174, %jit3A_175 : i32
        %ne3A_193 = arith.constant 0 : i32
        %ne3A_194 = arith.cmpi ne, %rem3A_192, %ne3A_193 : i32
        %and3A_195 = arith.andi %ne3A_191, %ne3A_194 : i1
        %sub3A_196 = arith.constant 1 : i32
        %sub3A_197 = arith.subi %div3A_176, %sub3A_196 : i32
        %select_n3A_198 = arith.select %and3A_195, %sub3A_197, %div3A_176 : i32
        %jit3A_199 = arith.constant 32 : i32
        %eq3A_200 = arith.constant 0 : i32
        %eq3A_201 = arith.cmpi eq, %jit3A_199, %eq3A_200 : i32
        %jit3A_202 = arith.constant 1 : i32
        %select_n3A_203 = arith.select %eq3A_201, %jit3A_202, %jit3A_199 : i32
        %rem3A_204 = arith.remsi %add3A_174, %select_n3A_203 : i32
        %ne3A_205 = arith.constant 0 : i32
        %ne3A_206 = arith.cmpi ne, %rem3A_204, %ne3A_205 : i32
        %lt3A_207 = arith.constant 0 : i32
        %lt3A_208 = arith.cmpi slt, %rem3A_204, %lt3A_207 : i32
        %lt3A_209 = arith.constant 0 : i32
        %lt3A_210 = arith.cmpi slt, %select_n3A_203, %lt3A_209 : i32
        %ne3A_211 = arith.xori %lt3A_208, %lt3A_210 : i1
        %and3A_212 = arith.andi %ne3A_211, %ne3A_206 : i1
        %add3A_213 = arith.addi %rem3A_204, %select_n3A_203 : i32
        %select_n3A_214 = arith.select %and3A_212, %add3A_213, %rem3A_204 : i32
        %dma_start3A_215 = arith.constant 0 : i32
        %dma_start3A_216 = tpu.memref_slice %arg2[%select_n3A_198, %select_n3A_214, %dma_start3A_215] : memref<26x32x100000xf32, #tpu.memory_space<hbm>> -> memref<1x1x100000xf32, #tpu.memory_space<hbm>>
        %dma_start3A_217 = tpu.memref_squeeze %dma_start3A_216 : memref<1x1x100000xf32, #tpu.memory_space<hbm>> -> memref<100000xf32, #tpu.memory_space<hbm>>
        %dma_start3A_218 = arith.constant 0 : i32
        %dma_start3A_219 = tpu.memref_slice %arg2[%select_n3A_198, %select_n3A_214, %dma_start3A_218] : memref<26x32x100000xf32, #tpu.memory_space<hbm>> -> memref<1x1x100000xf32, #tpu.memory_space<hbm>>
        %dma_start3A_220 = tpu.memref_squeeze %dma_start3A_219 : memref<1x1x100000xf32, #tpu.memory_space<hbm>> -> memref<100000xf32, #tpu.memory_space<hbm>>
        tpu.enqueue_dma source(%dma_start3A_220 : memref<100000xf32, #tpu.memory_space<hbm>>) target(%arg5 : memref<100000xf32, #tpu.memory_space<vmem>>) target_semaphore(%arg11 : memref<!tpu.dma_semaphore, #tpu.memory_space<semaphore_mem>>)
      } else {
      }
      %dma_wait3A_161 = arith.constant 8192 : i32
      %dma_wait3A_162 = tpu.memref_slice %arg4[%add3A_46, %dma_wait3A_161] : memref<832x16384xf32, #tpu.memory_space<hbm>> -> memref<1x4096xf32, #tpu.memory_space<hbm>>
      %dma_wait3A_163 = tpu.memref_squeeze %dma_wait3A_162 : memref<1x4096xf32, #tpu.memory_space<hbm>> -> memref<4096xf32, #tpu.memory_space<hbm>>
      %dma_wait3A_164 = arith.constant 8192 : i32
      %dma_wait3A_165 = tpu.memref_slice %arg4[%add3A_46, %dma_wait3A_164] : memref<832x16384xf32, #tpu.memory_space<hbm>> -> memref<1x4096xf32, #tpu.memory_space<hbm>>
      %dma_wait3A_166 = tpu.memref_squeeze %dma_wait3A_165 : memref<1x4096xf32, #tpu.memory_space<hbm>> -> memref<4096xf32, #tpu.memory_space<hbm>>
      tpu.wait_dma2 semaphore(%arg9 : memref<!tpu.dma_semaphore, #tpu.memory_space<semaphore_mem>>) src(%arg7 : memref<4096xf32, #tpu.memory_space<vmem>>) dst(%dma_wait3A_166 : memref<4096xf32, #tpu.memory_space<hbm>>)
      %dma_wait3A_167 = arith.constant 12288 : i32
      %dma_wait3A_168 = tpu.memref_slice %arg4[%add3A_46, %dma_wait3A_167] : memref<832x16384xf32, #tpu.memory_space<hbm>> -> memref<1x4096xf32, #tpu.memory_space<hbm>>
      %dma_wait3A_169 = tpu.memref_squeeze %dma_wait3A_168 : memref<1x4096xf32, #tpu.memory_space<hbm>> -> memref<4096xf32, #tpu.memory_space<hbm>>
      %dma_wait3A_170 = arith.constant 12288 : i32
      %dma_wait3A_171 = tpu.memref_slice %arg4[%add3A_46, %dma_wait3A_170] : memref<832x16384xf32, #tpu.memory_space<hbm>> -> memref<1x4096xf32, #tpu.memory_space<hbm>>
      %dma_wait3A_172 = tpu.memref_squeeze %dma_wait3A_171 : memref<1x4096xf32, #tpu.memory_space<hbm>> -> memref<4096xf32, #tpu.memory_space<hbm>>
      tpu.wait_dma2 semaphore(%arg10 : memref<!tpu.dma_semaphore, #tpu.memory_space<semaphore_mem>>) src(%arg8 : memref<4096xf32, #tpu.memory_space<vmem>>) dst(%dma_wait3A_172 : memref<4096xf32, #tpu.memory_space<hbm>>)
      scf.yield %select_n3A_70 : i32
    }
    %scan3A_43 = arith.constant 26 : i32
    return
  }
}

</mosaic_0001>

<sc_bundles>
// kernel: kernel.3.cloned.1.call-start
scs
__scs_entry_jumppad:
0x0: {  	(pc) =	sbr.rel $0x88, $3  }
0x1: {  	(tag) =	ssettag $0x0;
	lr =	simm.s32 $0x1  }
0x2: {  	[smem:$0x3F9F] =	sst lr;
	_ =	strace $0xD0000000  }
0x3: {  	_ = 	snop  }
0x4: {  	_ = 	snop  }
0x5: {  	_ = 	snop  }
0x6: {  	_ = 	snop  }
0x7: {  	_ = 	snop  }
__scs_overlays_trampoline_lowered:
0x8: {  	[smem:$0x3FAE] =	sst s0  }
0x9: {  	[smem:$0x3FAF] =	sst s1  }
0xa: {  	[smem:$0x3FB0] =	sst s2  }
0xb: {  	[smem:$0x3FB1] =	sst s3  }
0xc: {  	[smem:$0x3FB2] =	sst s4  }
0xd: {  	[smem:$0x3FB3] =	sst s5  }
0xe: {  	[smem:$0x3FB4] =	sst s6  }
0xf: {  	[smem:$0x3FB5] =	sst s7  }
0x10: {  	[smem:$0x3FB6] =	sst s8  }
0x11: {  	[smem:$0x3FB7] =	sst s9;
	s0 =	simm.s32 @!p0 $0x0  }
0x12: {  	s1 =	sld [smem:$0x3F9D];
	s0 =	simm.s32 @p0 $0x1  }
0x13: {  	[smem:$0x3FB8] =	sst s0;
	s0 =	simm.s32 @!p1 $0x0  }
0x14: {  	s2 =	sld [smem:$0x3F9C];
	s0 =	simm.s32 @p1 $0x1  }
0x15: {  	[smem:$0x3FB9] =	sst s0;
	s0 =	simm.s32 @!p2 $0x0  }
0x16: {  	s3 =	sld [smem:$0x3FDB];
	s0 =	simm.s32 @p2 $0x1  }
0x17: {  	s4 =	simm.s32 $0x1BF5;
	[smem:$0x3FBB] =	sst s0  }
0x18: {  	s0 =	sld [smem:$0x3F9E];
	_ =	swait.ge [sflag:s4], $0x0  }
0x19: {  	s7 =	sld [smem:$0x3F9F]  }
0x1a: {  	s8 =	sadd.s32 $0xFFFFE003, lr  }
0x1b: {  	s9 =	sadd.s32 $0xFFFFFEF7, lr;
	s5 =	simm.s32 $0xFFFFFFFF;
	p2 =	slt.u32 s8, $0xFFFFF086  }
0x1c: {  	p1 =	slt.u32 s9, $0xF7A;
	s5 =	simm.s32 @!p2 $0x0  }
0x1d: {  	s5 =	simm.s32 @p1 $0x1;
	p0 =	seq.s32 s7, s2  }
0x1e: {  	s7 =	smul.u32 @!p0 $0xF7A, s2;
	p2 =	seq.s32 @!p0 s5, $0x0  }
0x1f: {  	s9 =	smul.u32 $0xF7A, s1;
	s8 =	simm.s32 @!p0 $0x1BF5;
	p2 =	por !p2, p0  }
0x20: {  	[sflag:s8] =	ssyncset.s32 @!p0 $0xFFFFF086;
	s6 =	sadd.s32 @!p0 s3, s7;
	s7 =	simm.s32 @!p0 $0x108  }
0x21: {  	s3 =	sadd.s32 s3, s9;
	s6 =	sadd.s32 @!p0 $0x88, s6;
	s7 =	simm.s32 @p2 $0x1082  }
0x22: {  	[simem:s7], [sflag:s8] =	dma.local @!p0 [hbm:s6], $0xF7A  }
0x23: {  	s9 =	sor.u32 $0xD0000000, s2;
	s6 =	simm.s32 $0x108;
	_ =	swait.ge @!p0 [sflag:s8], $0x0  }
0x24: {  	s3 =	sadd.s32 $0x88, s3;
	s6 =	simm.s32 @!p1 $0x1082;
	[sflag:s4] =	ssyncset.s32 $0xFFFFF086  }
0x25: {  	[simem:s6], [sflag:s4] =	dma.local [hbm:s3], $0xF7A  }
0x26: {  	[smem:$0x3F9F] =	sst s1;
	(tag) =	ssettag s2;
	_ =	strace s9  }
0x27: {  	s1 =	sld [smem:$0x3FAF]  }
0x28: {  	s2 =	sld [smem:$0x3FB0]  }
0x29: {  	s4 =	sld [smem:$0x3FB2]  }
0x2a: {  	p0 =	seq.s32 s5, $0x0;
	s5 =	sld [smem:$0x3FB3]  }
0x2b: {  	s6 =	sld [smem:$0x3FB4]  }
0x2c: {  	s7 =	sld [smem:$0x3FB5]  }
0x2d: {  	s3 =	simm.s32 $0x108;
	s8 =	sld [smem:$0x3FB6]  }
0x2e: {  	s3 =	simm.s32 @!p0 $0x1082;
	s9 =	sld [smem:$0x3FB7]  }
0x2f: {  	lr =	sadd.s32 s0, s3;
	s0 =	sld [smem:$0x3FAE]  }
0x30: {  	s3 =	sld [smem:$0x3FB1]  }
0x31: {  	[smem:$0x3FBA] =	sst s10  }
0x32: {  	s10 =	sld [smem:$0x3FB8];
	_ =	sdelay $0x3  }
0x33: {  	p0 =	seq.s32 s10, $0x1;
	s10 =	sld [smem:$0x3FBA];
	_ =	sdelay $0x3  }
0x34: {  	[smem:$0x3FBA] =	sst s10  }
0x35: {  	s10 =	sld [smem:$0x3FB9];
	_ =	sdelay $0x3  }
0x36: {  	p1 =	seq.s32 s10, $0x1;
	s10 =	sld [smem:$0x3FBA];
	_ =	sdelay $0x3  }
0x37: {  	[smem:$0x3FBA] =	sst s10  }
0x38: {  	s10 =	sld [smem:$0x3FBB]  }
0x39: {  	_ = 	snop;
	(pc) =	sbr.ind lr, $3  }
0x3a: {  	_ = 	snop  }
0x3b: {  	_ = 	snop  }
0x3c: {  	p2 =	seq.s32 s10, $0x1;
	s10 =	sld [smem:$0x3FBA]  }
0x3d: {  	_ =	shalt  }
0x3e: {  	_ =	shalt  }
0x3f: {  	_ =	shalt  }
0x40: {  	_ =	shalt  }
0x41: {  	_ =	shalt  }
0x42: {  	_ =	shalt  }
0x43: {  	_ =	shalt  }
0x44: {  	_ =	shalt  }
0x45: {  	_ =	shalt  }
0x46: {  	_ =	shalt  }
0x47: {  	_ =	shalt  }
0x48: {  	_ =	shalt  }
0x49: {  	_ =	shalt  }
0x4a: {  	_ =	shalt  }
0x4b: {  	_ =	shalt  }
0x4c: {  	_ =	shalt  }
0x4d: {  	_ =	shalt  }
0x4e: {  	_ =	shalt  }
0x4f: {  	_ =	shalt  }
0x50: {  	_ =	shalt  }
0x51: {  	_ =	shalt  }
0x52: {  	_ =	shalt  }
0x53: {  	_ =	shalt  }
0x54: {  	_ =	shalt  }
0x55: {  	_ =	shalt  }
0x56: {  	_ =	shalt  }
0x57: {  	_ =	shalt  }
0x58: {  	_ =	shalt  }
0x59: {  	_ =	shalt  }
0x5a: {  	_ =	shalt  }
0x5b: {  	_ =	shalt  }
0x5c: {  	_ =	shalt  }
0x5d: {  	_ =	shalt  }
0x5e: {  	_ =	shalt  }
0x5f: {  	_ =	shalt  }
0x60: {  	_ =	shalt  }
0x61: {  	_ =	shalt  }
0x62: {  	_ =	shalt  }
0x63: {  	_ =	shalt  }
0x64: {  	_ =	shalt  }
0x65: {  	_ =	shalt  }
0x66: {  	_ =	shalt  }
0x67: {  	_ =	shalt  }
0x68: {  	_ =	shalt  }
0x69: {  	_ =	shalt  }
0x6a: {  	_ =	shalt  }
0x6b: {  	_ =	shalt  }
0x6c: {  	_ =	shalt  }
0x6d: {  	_ =	shalt  }
0x6e: {  	_ =	shalt  }
0x6f: {  	_ =	shalt  }
0x70: {  	_ =	shalt  }
0x71: {  	_ =	shalt  }
0x72: {  	_ =	shalt  }
0x73: {  	_ =	shalt  }
0x74: {  	_ =	shalt  }
0x75: {  	_ =	shalt  }
0x76: {  	_ =	shalt  }
0x77: {  	_ =	shalt  }
0x78: {  	_ =	shalt  }
0x79: {  	_ =	shalt  }
0x7a: {  	_ =	shalt  }
0x7b: {  	_ =	shalt  }
0x7c: {  	_ =	shalt  }
0x7d: {  	_ =	shalt  }
0x7e: {  	_ =	shalt  }
0x7f: {  	_ =	shalt  }
0x80: {  	_ =	shalt  }
0x81: {  	_ =	shalt  }
0x82: {  	_ =	shalt  }
0x83: {  	_ =	shalt  }
0x84: {  	_ =	shalt  }
0x85: {  	_ =	shalt  }
0x86: {  	_ =	shalt  }
0x87: {  	_ =	shalt  }
.Lfunc_end0:
.L_simem_size_0:
called_computation_lowered:
.L_overlay_start_0:
0x88: {  	s2 =	sld [smem:$0x3FD9]  }
0x89: {  	s3 =	sld [smem:$0x3FFE];
	_ =	sdelay $0x1  }
0x8a: {  	s1 =	srdreg.scid  }
0x8b: {  	s0 =	sand.u32 $0x1, s1  }
0x8c: {  	s17 =	sshll.u32 s0, $0xA;
	s2 =	sadd.s32 s3, s2  }
0x8d: {  	s2 =	sadd.s32 s2, s17  }
0x8e: {  	[smem:$0x3FC6] =	sst s2  }
0x8f: {  	_ = 	snop  }
0x90: {  	s2 =	sld [smem:$0x3FC8]  }
0x91: {  	s18 =	sld [smem:$0x3FD0];
	(tm) =	ssettm $0x1  }
0x92: {  	s4 =	sld [smem:$0x3FFB];
	_ =	sdelay $0x3  }
0x93: {  	_ =	strace s4  }
0x94: {  	s4 =	sld [smem:$0x3FFC];
	_ =	sdelay $0x3  }
0x95: {  	_ =	strace s4  }
0x96: {  	s4 =	sld [smem:$0x3FFD];
	_ =	sdelay $0x3  }
0x97: {  	_ =	strace s4  }
0x98: {  	_ =	strace $0x8FFFFFFF  }
0x99: {  	s19 =	sld [smem:$0x3FDB];
	_ =	sdelay $0x1  }
0x9a: {  	s5 =	simm.s32 $_scs_section_size  }
0x9b: {  	s6 =	simm.s32 $_size__tile_overlayer_lowered;
	s7 =	simm.s32 $_tile_overlayer_lowered  }
0x9c: {  	s22 =	simm.s32 $0x1BFF;
	s21 =	sshll.u32 s7, $0x1;
	s4 =	sadd.s32 s5, s19  }
0x9d: {  	s8 =	simm.s32 $0x0;
	s20 =	sshll.u32 s6, $0x1;
	s6 =	sadd.s32 s21, s4  }
0x9e: {  	[timem:s8], [sflag:s22] =	dma.local [hbm:s6], s20  }
0x9f: {  	_ =	swait.ge [sflag:s22], s20  }
0xa0: {  	s5 =	ssub.s32 $0x0, s20;
	[sflag:s22] =	ssyncset.done $0x0  }
0xa1: {  	[sflag:s22] =	ssyncadd.s32 s5;
	_ =	sdelay $0x1  }
0xa2: {  	s23 =	simm.s32 $0x1B8B  }
0xa3: {  	_ =	swait.ge [sflag:s23], $0x1  }
0xa4: {  	[sflag:s23] =	ssyncset.done $0x0  }
0xa5: {  	s25 =	simm.s32 $0x1B8E;
	s24 =	sld [smem:$0x3FFE];
	[sflag:s23] =	ssyncadd.s32 $0xFFFFFFFF  }
0xa6: {  	s26 =	simm.s32 $execute0_lowered;
	[smem:$0x3FD2] =	sst s25  }
0xa7: {  	s6 =	sshll.u32 s26, $0x1;
	_ =	strace $0x80000046;
	[dreg:$0x1] =	wrdreg $0xFFFFFFFF  }
0xa8: {  	s28 =	simm.s32 $_size_execute0_lowered;
	s4 =	sadd.s32 s4, s6;
	[dreg:$0x0] =	wrdreg $0x0  }
0xa9: {  	s6 =	sshll.u32 s28, $0x1;
	[dreg:$0x2] =	wrdreg s4  }
0xaa: {  	[dreg:$0x3] =	wrdreg s6  }
0xab: {  	[dreg:$0x4] =	wrdreg $0xC0  }
0xac: {  	_ =	task [dreg:s8], $0x5FFFF  }
0xad: {  	[dreg:$0x1] =	wrdreg $0xFFFFFFFF  }
0xae: {  	[dreg:$0x0] =	wrdreg $0x60  }
0xaf: {  	[dreg:$0x2] =	wrdreg s2  }
0xb0: {  	[dreg:$0x3] =	wrdreg s24  }
0xb1: {  	[dreg:$0x4] =	wrdreg s18  }
0xb2: {  	[dreg:$0x5] =	wrdreg $0x9  }
0xb3: {  	_ =	task.clear_ibuf [dreg:s8], $0x6FFFF;
	_ =	strace $0x90000046  }
0xb4: {  	s29 =	simm.s32 $0x9;
	_ =	strace $0x80000048  }
0xb5: {  	_ =	swait.ge [sflag:s29], $0x1  }
0xb6: {  	[sflag:s29] =	ssyncadd.s32 $0xFFFFFFFF  }
0xb7: {  	_ =	strace $0x90000048  }
0xb8: {  	_ =	sfence  }
0xb9: {  	s30 =	sld [smem:$0x0];
	_ =	sdelay $0x2  }
0xba: {  	s31 =	sshll.u32 s1, $0xD;
	s1 =	sshrl.u32 s1, $0x2  }
0xbb: {  	s3 =	sand.u32 $0x4000, s31;
	s1 =	sadd.s32 s1, s30  }
0xbc: {  	s0 =	sor.u32 s3, s0;
	s1 =	sshll.u32 s1, $0x11  }
0xbd: {  	s0 =	sor.u32 s1, s0  }
0xbe: {  	s0 =	sadd.s32 $0x8F2B, s0  }
0xbf: {  	[sflag:s0] =	ssyncadd.remote.s32 $0x1  }
0xc0: {  	_ =	sfence.sel $0xFFFF  }
0xc1: {  	[dreg:$0x0] =	wrdreg $0xFFFFFFFF;
	(pc) =	sbr.abs _section_cstart, $3  }
0xc2: {  	[dreg:$0x1] =	wrdreg $0xFFFFFFFF  }
0xc3: {  	_ =	task.clear_ibuf [dreg:s8], $0x2FFFF;
	_ =	strace $0x9FFFFFFF  }
0xc4: {  	(tm) =	ssettm $0x7FFFFFFF  }
0xc5: {  	_ =	shalt  }
tec
execute0_lowered:
.L_overlay_start_1:
0x0: {  	(tag) =	ssettag $0x1  }
0x1: {  	s1 =	srdreg.scid;
	s2 =	rddreg [dreg:$0x0]  }
0x2: {  	s0 =	stileid.u32;
	s7 =	rddreg [dreg:$0x1]  }
0x3: {  	s5 =	simm.s32 $0x0;
	s6 =	sand.u32 $0x1, s1;
	s25 =	sshll.u32 s0, $0x1  }
0x4: {  	s12 =	simm.s32 $0x80;
	s13 =	simm.s32 $0x400;
	s1 =	sor.u32 s6, s25  }
0x5: {  	s14 =	simm.s32 $0x3;
	s15 =	simm.s32 $0x1C700;
	s1 =	smul.u32 $0x1A, s1  }
0x6: {  	s16 =	simm.s32 $0x1D700;
	s17 =	simm.s32 $0x1;
	s18 =	simm.s32 $0x2  }
0x7: {  	s19 =	simm.s32 $0x0;
	s3 =	sshrl.u32 s1, $0x5;
	s4 =	sand.u32 $0x18, s1  }
0x8: {  	s29 =	ssub.s32 $0x2, s6;
	s8 =	smul.u32 $0x30E000, s3;
	s26 =	sshrl.u32 s4, $0x3  }
0x9: {  	[smem:$0x7FF] =	sst s5;
	s31 =	sshrl.u32 s29, $0x1;
	s9 =	smul.u32 $0xC3800, s26  }
0xa: {  	s6 =	sadd.s32 $0x400, s7;
	s11 =	ssub.s32 s29, s31;
	s10 =	sshll.u32 s1, $0x7  }
0xb: {  	s4 =	rddreg [dreg:$0x2];
	s28 =	sand.u32 $0x300, s10;
	s8 =	sadd.s32 s8, s9  }
0xc: {  	s11 =	smax.u32 s11, $0x1;
	s3 =	rddreg [dreg:$0x3];
	s30 =	sor.u32 s28, s8  }
0xd: {  	_ =	strace $0x80000047;
	s10 =	sadd.s32 $0x3000, s4;
	s9 =	sshrl.u32 s30, $0x3  }
0xe: {  	s8 =	sadd.s32 $0x1000, s4;
	s7 =	sadd.s32 s2, s9;
	s9 =	sadd.s32 $0x2000, s4  }
.LBB2_1:
0xf: {  	[tilespmem:s5], [sflag:$0x3] =	stream.strided.gather [hbm4b:s7+s12], $0x18700, s13, s12, $0x38;
	[tilespmem:$0x1E700] =	vst v63  }
0x10: {  	s20 =	simm.s32 $0xFFFFFFFF;
	s21 =	simm.s32 $0x0  }
.LBB2_2:
0x11: {  	s22 =	sadd.s32 s1, s21  }
0x12: {  	s23 =	smov.u32 s20;
	s20 =	sshrl.u32 s22, $0x5  }
0x13: {  	p0 =	seq.s32 s20, s23  }
0x14: {  	s23 =	sshll.u32 @!p0 s20, $0xB  }
0x15: {  	s23 =	sand.u32 @!p0 $0x1FFFF800, s23  }
0x16: {  	s24 =	simm.s32 @!p0 $0x0;
	s25 =	simm.s32 @!p0 $0x18700;
	s23 =	sadd.s32 @!p0 s6, s23  }
0x17: {  	[tilespmem:s25], [sflag:$0x4] =	stream.linear.gather @!p0 [hbm4b:s23+s24], $0x4000, $0x38;
	[tilespmem:$0x1E700] =	vst v63  }
0x18: {  	s23 =	simm.s32 @!p0 $0x4  }
0x19: {  	_ =	swait.ge @!p0 [sflag:s23], $0x4000  }
0x1a: {  	[sflag:s23] =	ssyncset.done @!p0 $0x0  }
0x1b: {  	[sflag:s23] =	ssyncadd.s32 @!p0 $0xFFFFC000  }
0x1c: {  	_ =	swait.ge [sflag:s14], $0x18700  }
0x1d: {  	[sflag:s14] =	ssyncset.done $0x0  }
0x1e: {  	s24 =	simm.s32 $0x0;
	[sflag:s14] =	ssyncadd.s32 $0xFFFE7900  }
0x1f: {  	v14 =	vld [tilespmem:s24+$0x18700]  }
0x20: {  	v0 =	vld [tilespmem:s24+$0x18710]  }
0x21: {  	v1 =	vld [tilespmem:s24+$0x18720]  }
0x22: {  	v2 =	vld [tilespmem:s24+$0x18730]  }
0x23: {  	v3 =	vld [tilespmem:s24+$0x18740]  }
0x24: {  	v4 =	vld [tilespmem:s24+$0x18750]  }
0x25: {  	v5 =	vld [tilespmem:s24+$0x18760]  }
0x26: {  	v7 =	vld [tilespmem:s24+$0x18770]  }
0x27: {  	v9 =	vld [tilespmem:s24+$0x18780]  }
0x28: {  	v6 =	vld [tilespmem:s24+$0x18790]  }
0x29: {  	v8 =	vld [tilespmem:s24+$0x187A0]  }
0x2a: {  	v10 =	vld [tilespmem:s24+$0x187B0]  }
0x2b: {  	v11 =	vld [tilespmem:s24+$0x187C0]  }
0x2c: {  	v12 =	vld [tilespmem:s24+$0x187D0]  }
0x2d: {  	v13 =	vld [tilespmem:s24+$0x187E0]  }
0x2e: {  	v15 =	vld [tilespmem:s24+$0x187F0]  }
0x2f: {  	s23 =	simm.s32 $0x400;
	v14 =	vld.idx.msk [tilespmem:v14+s5+$0x0], $0xffff  }
.LBB2_3:
0x30: {  	p0 =	sne.s32 s23, $0x3C00;
	v16 =	vld.idx.msk [tilespmem:v0+s5+$0x0], $0xffff  }
0x31: {  	v17 =	vld.idx.msk [tilespmem:v1+s5+$0x0], $0xffff  }
0x32: {  	v18 =	vld.idx.msk [tilespmem:v2+s5+$0x0], $0xffff  }
0x33: {  	v19 =	vld.idx.msk [tilespmem:v3+s5+$0x0], $0xffff  }
0x34: {  	v20 =	vld.idx.msk [tilespmem:v4+s5+$0x0], $0xffff  }
0x35: {  	v21 =	vld.idx.msk [tilespmem:v5+s5+$0x0], $0xffff  }
0x36: {  	v22 =	vld.idx.msk [tilespmem:v7+s5+$0x0], $0xffff  }
0x37: {  	v23 =	vld.idx.msk [tilespmem:v9+s5+$0x0], $0xffff  }
0x38: {  	v0 =	vld.idx.msk [tilespmem:v15+s5+$0x0], $0xffff  }
0x39: {  	v15 =	vld.idx.msk [tilespmem:v6+s5+$0x0], $0xffff  }
0x3a: {  	v24 =	vld.idx.msk [tilespmem:v8+s5+$0x0], $0xffff  }
0x3b: {  	v25 =	vld.idx.msk [tilespmem:v10+s5+$0x0], $0xffff  }
0x3c: {  	v26 =	vld.idx.msk [tilespmem:v11+s5+$0x0], $0xffff  }
0x3d: {  	v27 =	vld.idx.msk [tilespmem:v12+s5+$0x0], $0xffff  }
0x3e: {  	s25 =	sshra.s32 s23, $0x2;
	v28 =	vld.idx.msk [tilespmem:v13+s5+$0x0], $0xffff;
	[tilespmem:s24+$0x1C7F0] =	vst v0  }
0x3f: {  	v29 =	vld [tilespmem:s25+$0x18700];
	[tilespmem:s24+$0x1C700] =	vst v14  }
0x40: {  	v0 =	vld [tilespmem:s25+$0x18710];
	[tilespmem:s24+$0x1C710] =	vst v16  }
0x41: {  	v1 =	vld [tilespmem:s25+$0x18720];
	[tilespmem:s24+$0x1C720] =	vst v17  }
0x42: {  	v2 =	vld [tilespmem:s25+$0x18730];
	[tilespmem:s24+$0x1C730] =	vst v18  }
0x43: {  	v3 =	vld [tilespmem:s25+$0x18740];
	[tilespmem:s24+$0x1C740] =	vst v19  }
0x44: {  	v4 =	vld [tilespmem:s25+$0x18750];
	[tilespmem:s24+$0x1C750] =	vst v20  }
0x45: {  	v5 =	vld [tilespmem:s25+$0x18760];
	[tilespmem:s24+$0x1C760] =	vst v21  }
0x46: {  	v7 =	vld [tilespmem:s25+$0x18770];
	[tilespmem:s24+$0x1C770] =	vst v22  }
0x47: {  	v9 =	vld [tilespmem:s25+$0x18780];
	[tilespmem:s24+$0x1C780] =	vst v23  }
0x48: {  	v6 =	vld [tilespmem:s25+$0x18790];
	[tilespmem:s24+$0x1C790] =	vst v15  }
0x49: {  	v8 =	vld [tilespmem:s25+$0x187A0];
	[tilespmem:s24+$0x1C7A0] =	vst v24  }
0x4a: {  	v10 =	vld [tilespmem:s25+$0x187B0];
	[tilespmem:s24+$0x1C7B0] =	vst v25  }
.Ltmp0:
0x4b: {  	v11 =	vld [tilespmem:s25+$0x187C0];
	[tilespmem:s24+$0x1C7C0] =	vst v26;
	(pc) =	sbr.rel @p0 .LBB2_3-.Ltmp0, $4  }
0x4c: {  	v12 =	vld [tilespmem:s25+$0x187D0];
	[tilespmem:s24+$0x1C7D0] =	vst v27  }
0x4d: {  	v13 =	vld [tilespmem:s25+$0x187E0];
	[tilespmem:s24+$0x1C7E0] =	vst v28;
	s24 =	smov.u32 s25  }
0x4e: {  	v15 =	vld [tilespmem:s24+$0x187F0]  }
0x4f: {  	s23 =	sadd.s32 $0x400, s23;
	v14 =	vld.idx.msk [tilespmem:v29+s5+$0x0], $0xffff  }
0x50: {  	_ =	sdelay $0x3  }
0x51: {  	v0 =	vld.idx.msk [tilespmem:v0+s5+$0x0], $0xffff  }
0x52: {  	v1 =	vld.idx.msk [tilespmem:v1+s5+$0x0], $0xffff  }
0x53: {  	v2 =	vld.idx.msk [tilespmem:v2+s5+$0x0], $0xffff  }
0x54: {  	v3 =	vld.idx.msk [tilespmem:v3+s5+$0x0], $0xffff  }
0x55: {  	v4 =	vld.idx.msk [tilespmem:v4+s5+$0x0], $0xffff  }
0x56: {  	v5 =	vld.idx.msk [tilespmem:v5+s5+$0x0], $0xffff  }
0x57: {  	v7 =	vld.idx.msk [tilespmem:v7+s5+$0x0], $0xffff  }
0x58: {  	v9 =	vld.idx.msk [tilespmem:v9+s5+$0x0], $0xffff  }
0x59: {  	v6 =	vld.idx.msk [tilespmem:v6+s5+$0x0], $0xffff  }
0x5a: {  	v8 =	vld.idx.msk [tilespmem:v8+s5+$0x0], $0xffff  }
0x5b: {  	v10 =	vld.idx.msk [tilespmem:v10+s5+$0x0], $0xffff  }
0x5c: {  	v11 =	vld.idx.msk [tilespmem:v11+s5+$0x0], $0xffff  }
0x5d: {  	v12 =	vld.idx.msk [tilespmem:v12+s5+$0x0], $0xffff  }
0x5e: {  	v13 =	vld.idx.msk [tilespmem:v13+s5+$0x0], $0xffff  }
0x5f: {  	v15 =	vld.idx.msk [tilespmem:v15+s5+$0x0], $0xffff;
	[tilespmem:s24+$0x1C700] =	vst v14  }
0x60: {  	[tilespmem:s24+$0x1C710] =	vst v0  }
0x61: {  	[tilespmem:s24+$0x1C720] =	vst v1  }
0x62: {  	[tilespmem:s24+$0x1C730] =	vst v2  }
0x63: {  	[tilespmem:s24+$0x1C740] =	vst v3  }
0x64: {  	[tilespmem:s24+$0x1C750] =	vst v4  }
0x65: {  	[tilespmem:s24+$0x1C760] =	vst v5  }
0x66: {  	[tilespmem:s24+$0x1C770] =	vst v7  }
0x67: {  	[tilespmem:s24+$0x1C780] =	vst v9  }
0x68: {  	[tilespmem:s24+$0x1C790] =	vst v6  }
0x69: {  	[tilespmem:s24+$0x1C7A0] =	vst v8  }
0x6a: {  	[tilespmem:s24+$0x1C7B0] =	vst v10  }
0x6b: {  	s23 =	sshll.u32 s22, $0xB;
	s25 =	sshll.u32 s22, $0x4;
	[tilespmem:s24+$0x1C7C0] =	vst v11  }
0x6c: {  	s23 =	sand.u32 $0xFFFC000, s23;
	s25 =	sand.u32 $0x70, s25;
	[tilespmem:s24+$0x1C7D0] =	vst v12  }
0x6d: {  	s23 =	sor.u32 s25, s23;
	[tilespmem:s24+$0x1C7E0] =	vst v13  }
0x6e: {  	s31 =	sadd.s32 s4, s23;
	[tilespmem:s24+$0x1C7F0] =	vst v15;
	s24 =	simm.s32 $0x0  }
0x6f: {  	[hbm4b:s31+s12] =	stream.strided.scatter [tilespmem:s15], [sflag:$0x1], $0x1000, s13, s12, $0x38;
	[tilespmem:$0x1E700] =	vst v63  }
0x70: {  	v14 =	vld [tilespmem:s24+$0x19700]  }
0x71: {  	v0 =	vld [tilespmem:s24+$0x19710]  }
0x72: {  	v1 =	vld [tilespmem:s24+$0x19720]  }
0x73: {  	v2 =	vld [tilespmem:s24+$0x19730]  }
0x74: {  	v3 =	vld [tilespmem:s24+$0x19740]  }
0x75: {  	v4 =	vld [tilespmem:s24+$0x19750]  }
0x76: {  	v5 =	vld [tilespmem:s24+$0x19760]  }
0x77: {  	v7 =	vld [tilespmem:s24+$0x19770]  }
0x78: {  	v9 =	vld [tilespmem:s24+$0x19780]  }
0x79: {  	v6 =	vld [tilespmem:s24+$0x19790]  }
0x7a: {  	v8 =	vld [tilespmem:s24+$0x197A0]  }
0x7b: {  	v10 =	vld [tilespmem:s24+$0x197B0]  }
0x7c: {  	v11 =	vld [tilespmem:s24+$0x197C0]  }
0x7d: {  	v12 =	vld [tilespmem:s24+$0x197D0]  }
0x7e: {  	v13 =	vld [tilespmem:s24+$0x197E0]  }
0x7f: {  	v15 =	vld [tilespmem:s24+$0x197F0]  }
0x80: {  	s25 =	simm.s32 $0x400;
	v14 =	vld.idx.msk [tilespmem:v14+s5+$0x0], $0xffff  }
.LBB2_5:
0x81: {  	p0 =	sne.s32 s25, $0x3C00;
	v16 =	vld.idx.msk [tilespmem:v0+s5+$0x0], $0xffff  }
0x82: {  	v17 =	vld.idx.msk [tilespmem:v1+s5+$0x0], $0xffff  }
0x83: {  	v18 =	vld.idx.msk [tilespmem:v2+s5+$0x0], $0xffff  }
0x84: {  	v19 =	vld.idx.msk [tilespmem:v3+s5+$0x0], $0xffff  }
0x85: {  	v20 =	vld.idx.msk [tilespmem:v4+s5+$0x0], $0xffff  }
0x86: {  	v21 =	vld.idx.msk [tilespmem:v5+s5+$0x0], $0xffff  }
0x87: {  	v22 =	vld.idx.msk [tilespmem:v7+s5+$0x0], $0xffff  }
0x88: {  	v23 =	vld.idx.msk [tilespmem:v9+s5+$0x0], $0xffff  }
0x89: {  	v0 =	vld.idx.msk [tilespmem:v15+s5+$0x0], $0xffff  }
0x8a: {  	v15 =	vld.idx.msk [tilespmem:v6+s5+$0x0], $0xffff  }
0x8b: {  	v24 =	vld.idx.msk [tilespmem:v8+s5+$0x0], $0xffff  }
0x8c: {  	v25 =	vld.idx.msk [tilespmem:v10+s5+$0x0], $0xffff  }
0x8d: {  	v26 =	vld.idx.msk [tilespmem:v11+s5+$0x0], $0xffff  }
0x8e: {  	v27 =	vld.idx.msk [tilespmem:v12+s5+$0x0], $0xffff  }
0x8f: {  	s26 =	sshra.s32 s25, $0x2;
	v28 =	vld.idx.msk [tilespmem:v13+s5+$0x0], $0xffff;
	[tilespmem:s24+$0x1D7F0] =	vst v0  }
0x90: {  	v29 =	vld [tilespmem:s26+$0x19700];
	[tilespmem:s24+$0x1D700] =	vst v14  }
0x91: {  	v0 =	vld [tilespmem:s26+$0x19710];
	[tilespmem:s24+$0x1D710] =	vst v16  }
0x92: {  	v1 =	vld [tilespmem:s26+$0x19720];
	[tilespmem:s24+$0x1D720] =	vst v17  }
0x93: {  	v2 =	vld [tilespmem:s26+$0x19730];
	[tilespmem:s24+$0x1D730] =	vst v18  }
0x94: {  	v3 =	vld [tilespmem:s26+$0x19740];
	[tilespmem:s24+$0x1D740] =	vst v19  }
0x95: {  	v4 =	vld [tilespmem:s26+$0x19750];
	[tilespmem:s24+$0x1D750] =	vst v20  }
0x96: {  	v5 =	vld [tilespmem:s26+$0x19760];
	[tilespmem:s24+$0x1D760] =	vst v21  }
0x97: {  	v7 =	vld [tilespmem:s26+$0x19770];
	[tilespmem:s24+$0x1D770] =	vst v22  }
0x98: {  	v9 =	vld [tilespmem:s26+$0x19780];
	[tilespmem:s24+$0x1D780] =	vst v23  }
0x99: {  	v6 =	vld [tilespmem:s26+$0x19790];
	[tilespmem:s24+$0x1D790] =	vst v15  }
0x9a: {  	v8 =	vld [tilespmem:s26+$0x197A0];
	[tilespmem:s24+$0x1D7A0] =	vst v24  }
0x9b: {  	v10 =	vld [tilespmem:s26+$0x197B0];
	[tilespmem:s24+$0x1D7B0] =	vst v25  }
.Ltmp1:
0x9c: {  	v11 =	vld [tilespmem:s26+$0x197C0];
	[tilespmem:s24+$0x1D7C0] =	vst v26;
	(pc) =	sbr.rel @p0 .LBB2_5-.Ltmp1, $4  }
0x9d: {  	v12 =	vld [tilespmem:s26+$0x197D0];
	[tilespmem:s24+$0x1D7D0] =	vst v27  }
0x9e: {  	v13 =	vld [tilespmem:s26+$0x197E0];
	[tilespmem:s24+$0x1D7E0] =	vst v28;
	s24 =	smov.u32 s26  }
0x9f: {  	v15 =	vld [tilespmem:s24+$0x197F0]  }
0xa0: {  	s25 =	sadd.s32 $0x400, s25;
	v14 =	vld.idx.msk [tilespmem:v29+s5+$0x0], $0xffff  }
0xa1: {  	_ =	sdelay $0x3  }
0xa2: {  	v0 =	vld.idx.msk [tilespmem:v0+s5+$0x0], $0xffff  }
0xa3: {  	v1 =	vld.idx.msk [tilespmem:v1+s5+$0x0], $0xffff  }
0xa4: {  	v2 =	vld.idx.msk [tilespmem:v2+s5+$0x0], $0xffff  }
0xa5: {  	v3 =	vld.idx.msk [tilespmem:v3+s5+$0x0], $0xffff  }
0xa6: {  	v4 =	vld.idx.msk [tilespmem:v4+s5+$0x0], $0xffff  }
0xa7: {  	v5 =	vld.idx.msk [tilespmem:v5+s5+$0x0], $0xffff  }
0xa8: {  	v7 =	vld.idx.msk [tilespmem:v7+s5+$0x0], $0xffff  }
0xa9: {  	v9 =	vld.idx.msk [tilespmem:v9+s5+$0x0], $0xffff  }
0xaa: {  	v6 =	vld.idx.msk [tilespmem:v6+s5+$0x0], $0xffff  }
0xab: {  	v8 =	vld.idx.msk [tilespmem:v8+s5+$0x0], $0xffff  }
0xac: {  	v10 =	vld.idx.msk [tilespmem:v10+s5+$0x0], $0xffff  }
0xad: {  	v11 =	vld.idx.msk [tilespmem:v11+s5+$0x0], $0xffff  }
0xae: {  	v12 =	vld.idx.msk [tilespmem:v12+s5+$0x0], $0xffff  }
0xaf: {  	v13 =	vld.idx.msk [tilespmem:v13+s5+$0x0], $0xffff  }
0xb0: {  	v15 =	vld.idx.msk [tilespmem:v15+s5+$0x0], $0xffff;
	[tilespmem:s24+$0x1D700] =	vst v14  }
0xb1: {  	[tilespmem:s24+$0x1D710] =	vst v0  }
0xb2: {  	[tilespmem:s24+$0x1D720] =	vst v1  }
0xb3: {  	[tilespmem:s24+$0x1D730] =	vst v2  }
0xb4: {  	[tilespmem:s24+$0x1D740] =	vst v3  }
0xb5: {  	[tilespmem:s24+$0x1D750] =	vst v4  }
0xb6: {  	[tilespmem:s24+$0x1D760] =	vst v5  }
0xb7: {  	[tilespmem:s24+$0x1D770] =	vst v7  }
0xb8: {  	[tilespmem:s24+$0x1D780] =	vst v9  }
0xb9: {  	[tilespmem:s24+$0x1D790] =	vst v6  }
0xba: {  	[tilespmem:s24+$0x1D7A0] =	vst v8  }
0xbb: {  	[tilespmem:s24+$0x1D7B0] =	vst v10  }
0xbc: {  	[tilespmem:s24+$0x1D7C0] =	vst v11  }
0xbd: {  	[tilespmem:s24+$0x1D7D0] =	vst v12  }
0xbe: {  	[tilespmem:s24+$0x1D7E0] =	vst v13  }
0xbf: {  	s31 =	sadd.s32 s23, s8;
	[tilespmem:s24+$0x1D7F0] =	vst v15  }
0xc0: {  	[hbm4b:s31+s12] =	stream.strided.scatter [tilespmem:s16], [sflag:$0x2], $0x1000, s13, s12, $0x38;
	[tilespmem:$0x1E700] =	vst v63  }
0xc1: {  	_ =	swait.ge [sflag:s17], $0x1000  }
0xc2: {  	[sflag:s17] =	ssyncset.done $0x0  }
0xc3: {  	s24 =	simm.s32 $0x0;
	[sflag:s17] =	ssyncadd.s32 $0xFFFFF000  }
0xc4: {  	v14 =	vld [tilespmem:s24+$0x1A700]  }
0xc5: {  	v0 =	vld [tilespmem:s24+$0x1A710]  }
0xc6: {  	v1 =	vld [tilespmem:s24+$0x1A720]  }
0xc7: {  	v2 =	vld [tilespmem:s24+$0x1A730]  }
0xc8: {  	v3 =	vld [tilespmem:s24+$0x1A740]  }
0xc9: {  	v4 =	vld [tilespmem:s24+$0x1A750]  }
0xca: {  	v5 =	vld [tilespmem:s24+$0x1A760]  }
0xcb: {  	v7 =	vld [tilespmem:s24+$0x1A770]  }
0xcc: {  	v9 =	vld [tilespmem:s24+$0x1A780]  }
0xcd: {  	v6 =	vld [tilespmem:s24+$0x1A790]  }
0xce: {  	v8 =	vld [tilespmem:s24+$0x1A7A0]  }
0xcf: {  	v10 =	vld [tilespmem:s24+$0x1A7B0]  }
0xd0: {  	v11 =	vld [tilespmem:s24+$0x1A7C0]  }
0xd1: {  	v12 =	vld [tilespmem:s24+$0x1A7D0]  }
0xd2: {  	v13 =	vld [tilespmem:s24+$0x1A7E0]  }
0xd3: {  	v15 =	vld [tilespmem:s24+$0x1A7F0]  }
0xd4: {  	s25 =	simm.s32 $0x400;
	v14 =	vld.idx.msk [tilespmem:v14+s5+$0x0], $0xffff  }
.LBB2_7:
0xd5: {  	p0 =	sne.s32 s25, $0x3C00;
	v16 =	vld.idx.msk [tilespmem:v0+s5+$0x0], $0xffff  }
0xd6: {  	v17 =	vld.idx.msk [tilespmem:v1+s5+$0x0], $0xffff  }
0xd7: {  	v18 =	vld.idx.msk [tilespmem:v2+s5+$0x0], $0xffff  }
0xd8: {  	v19 =	vld.idx.msk [tilespmem:v3+s5+$0x0], $0xffff  }
0xd9: {  	v20 =	vld.idx.msk [tilespmem:v4+s5+$0x0], $0xffff  }
0xda: {  	v21 =	vld.idx.msk [tilespmem:v5+s5+$0x0], $0xffff  }
0xdb: {  	v22 =	vld.idx.msk [tilespmem:v7+s5+$0x0], $0xffff  }
0xdc: {  	v23 =	vld.idx.msk [tilespmem:v9+s5+$0x0], $0xffff  }
0xdd: {  	v0 =	vld.idx.msk [tilespmem:v15+s5+$0x0], $0xffff  }
0xde: {  	v15 =	vld.idx.msk [tilespmem:v6+s5+$0x0], $0xffff  }
0xdf: {  	v24 =	vld.idx.msk [tilespmem:v8+s5+$0x0], $0xffff  }
0xe0: {  	v25 =	vld.idx.msk [tilespmem:v10+s5+$0x0], $0xffff  }
0xe1: {  	v26 =	vld.idx.msk [tilespmem:v11+s5+$0x0], $0xffff  }
0xe2: {  	v27 =	vld.idx.msk [tilespmem:v12+s5+$0x0], $0xffff  }
0xe3: {  	s26 =	sshra.s32 s25, $0x2;
	v28 =	vld.idx.msk [tilespmem:v13+s5+$0x0], $0xffff;
	[tilespmem:s24+$0x1C7F0] =	vst v0  }
0xe4: {  	v29 =	vld [tilespmem:s26+$0x1A700];
	[tilespmem:s24+$0x1C700] =	vst v14  }
0xe5: {  	v0 =	vld [tilespmem:s26+$0x1A710];
	[tilespmem:s24+$0x1C710] =	vst v16  }
0xe6: {  	v1 =	vld [tilespmem:s26+$0x1A720];
	[tilespmem:s24+$0x1C720] =	vst v17  }
0xe7: {  	v2 =	vld [tilespmem:s26+$0x1A730];
	[tilespmem:s24+$0x1C730] =	vst v18  }
0xe8: {  	v3 =	vld [tilespmem:s26+$0x1A740];
	[tilespmem:s24+$0x1C740] =	vst v19  }
0xe9: {  	v4 =	vld [tilespmem:s26+$0x1A750];
	[tilespmem:s24+$0x1C750] =	vst v20  }
0xea: {  	v5 =	vld [tilespmem:s26+$0x1A760];
	[tilespmem:s24+$0x1C760] =	vst v21  }
0xeb: {  	v7 =	vld [tilespmem:s26+$0x1A770];
	[tilespmem:s24+$0x1C770] =	vst v22  }
0xec: {  	v9 =	vld [tilespmem:s26+$0x1A780];
	[tilespmem:s24+$0x1C780] =	vst v23  }
0xed: {  	v6 =	vld [tilespmem:s26+$0x1A790];
	[tilespmem:s24+$0x1C790] =	vst v15  }
0xee: {  	v8 =	vld [tilespmem:s26+$0x1A7A0];
	[tilespmem:s24+$0x1C7A0] =	vst v24  }
0xef: {  	v10 =	vld [tilespmem:s26+$0x1A7B0];
	[tilespmem:s24+$0x1C7B0] =	vst v25  }
.Ltmp2:
0xf0: {  	v11 =	vld [tilespmem:s26+$0x1A7C0];
	[tilespmem:s24+$0x1C7C0] =	vst v26;
	(pc) =	sbr.rel @p0 .LBB2_7-.Ltmp2, $4  }
0xf1: {  	v12 =	vld [tilespmem:s26+$0x1A7D0];
	[tilespmem:s24+$0x1C7D0] =	vst v27  }
0xf2: {  	v13 =	vld [tilespmem:s26+$0x1A7E0];
	[tilespmem:s24+$0x1C7E0] =	vst v28;
	s24 =	smov.u32 s26  }
0xf3: {  	v15 =	vld [tilespmem:s24+$0x1A7F0]  }
0xf4: {  	s25 =	sadd.s32 $0x400, s25;
	v14 =	vld.idx.msk [tilespmem:v29+s5+$0x0], $0xffff  }
0xf5: {  	_ =	sdelay $0x3  }
0xf6: {  	v0 =	vld.idx.msk [tilespmem:v0+s5+$0x0], $0xffff  }
0xf7: {  	v1 =	vld.idx.msk [tilespmem:v1+s5+$0x0], $0xffff  }
0xf8: {  	v2 =	vld.idx.msk [tilespmem:v2+s5+$0x0], $0xffff  }
0xf9: {  	v3 =	vld.idx.msk [tilespmem:v3+s5+$0x0], $0xffff  }
0xfa: {  	v4 =	vld.idx.msk [tilespmem:v4+s5+$0x0], $0xffff  }
0xfb: {  	v5 =	vld.idx.msk [tilespmem:v5+s5+$0x0], $0xffff  }
0xfc: {  	v7 =	vld.idx.msk [tilespmem:v7+s5+$0x0], $0xffff  }
0xfd: {  	v9 =	vld.idx.msk [tilespmem:v9+s5+$0x0], $0xffff  }
0xfe: {  	v6 =	vld.idx.msk [tilespmem:v6+s5+$0x0], $0xffff  }
0xff: {  	v8 =	vld.idx.msk [tilespmem:v8+s5+$0x0], $0xffff  }
0x100: {  	v10 =	vld.idx.msk [tilespmem:v10+s5+$0x0], $0xffff  }
0x101: {  	v11 =	vld.idx.msk [tilespmem:v11+s5+$0x0], $0xffff  }
0x102: {  	v12 =	vld.idx.msk [tilespmem:v12+s5+$0x0], $0xffff  }
0x103: {  	v13 =	vld.idx.msk [tilespmem:v13+s5+$0x0], $0xffff  }
0x104: {  	v15 =	vld.idx.msk [tilespmem:v15+s5+$0x0], $0xffff;
	[tilespmem:s24+$0x1C700] =	vst v14  }
0x105: {  	[tilespmem:s24+$0x1C710] =	vst v0  }
0x106: {  	[tilespmem:s24+$0x1C720] =	vst v1  }
0x107: {  	[tilespmem:s24+$0x1C730] =	vst v2  }
0x108: {  	[tilespmem:s24+$0x1C740] =	vst v3  }
0x109: {  	[tilespmem:s24+$0x1C750] =	vst v4  }
0x10a: {  	[tilespmem:s24+$0x1C760] =	vst v5  }
0x10b: {  	[tilespmem:s24+$0x1C770] =	vst v7  }
0x10c: {  	[tilespmem:s24+$0x1C780] =	vst v9  }
0x10d: {  	[tilespmem:s24+$0x1C790] =	vst v6  }
0x10e: {  	[tilespmem:s24+$0x1C7A0] =	vst v8  }
0x10f: {  	[tilespmem:s24+$0x1C7B0] =	vst v10  }
0x110: {  	[tilespmem:s24+$0x1C7C0] =	vst v11  }
0x111: {  	[tilespmem:s24+$0x1C7D0] =	vst v12  }
0x112: {  	[tilespmem:s24+$0x1C7E0] =	vst v13  }
0x113: {  	s31 =	sadd.s32 s23, s9;
	[tilespmem:s24+$0x1C7F0] =	vst v15  }
0x114: {  	[hbm4b:s31+s12] =	stream.strided.scatter [tilespmem:s15], [sflag:$0x1], $0x1000, s13, s12, $0x38;
	[tilespmem:$0x1E700] =	vst v63  }
0x115: {  	_ =	swait.ge [sflag:s18], $0x1000  }
0x116: {  	[sflag:s18] =	ssyncset.done $0x0  }
0x117: {  	s24 =	simm.s32 $0x0;
	[sflag:s18] =	ssyncadd.s32 $0xFFFFF000  }
0x118: {  	v14 =	vld [tilespmem:s24+$0x1B700]  }
0x119: {  	v0 =	vld [tilespmem:s24+$0x1B710]  }
0x11a: {  	v1 =	vld [tilespmem:s24+$0x1B720]  }
0x11b: {  	v2 =	vld [tilespmem:s24+$0x1B730]  }
0x11c: {  	v3 =	vld [tilespmem:s24+$0x1B740]  }
0x11d: {  	v4 =	vld [tilespmem:s24+$0x1B750]  }
0x11e: {  	v5 =	vld [tilespmem:s24+$0x1B760]  }
0x11f: {  	v7 =	vld [tilespmem:s24+$0x1B770]  }
0x120: {  	v9 =	vld [tilespmem:s24+$0x1B780]  }
0x121: {  	v6 =	vld [tilespmem:s24+$0x1B790]  }
0x122: {  	v8 =	vld [tilespmem:s24+$0x1B7A0]  }
0x123: {  	v10 =	vld [tilespmem:s24+$0x1B7B0]  }
0x124: {  	v11 =	vld [tilespmem:s24+$0x1B7C0]  }
0x125: {  	v12 =	vld [tilespmem:s24+$0x1B7D0]  }
0x126: {  	v13 =	vld [tilespmem:s24+$0x1B7E0]  }
0x127: {  	v15 =	vld [tilespmem:s24+$0x1B7F0]  }
0x128: {  	s25 =	simm.s32 $0x400;
	v14 =	vld.idx.msk [tilespmem:v14+s5+$0x0], $0xffff  }
.LBB2_9:
0x129: {  	p0 =	sne.s32 s25, $0x3C00;
	v16 =	vld.idx.msk [tilespmem:v0+s5+$0x0], $0xffff  }
0x12a: {  	v17 =	vld.idx.msk [tilespmem:v1+s5+$0x0], $0xffff  }
0x12b: {  	v18 =	vld.idx.msk [tilespmem:v2+s5+$0x0], $0xffff  }
0x12c: {  	v19 =	vld.idx.msk [tilespmem:v3+s5+$0x0], $0xffff  }
0x12d: {  	v20 =	vld.idx.msk [tilespmem:v4+s5+$0x0], $0xffff  }
0x12e: {  	v21 =	vld.idx.msk [tilespmem:v5+s5+$0x0], $0xffff  }
0x12f: {  	v22 =	vld.idx.msk [tilespmem:v7+s5+$0x0], $0xffff  }
0x130: {  	v23 =	vld.idx.msk [tilespmem:v9+s5+$0x0], $0xffff  }
0x131: {  	v0 =	vld.idx.msk [tilespmem:v15+s5+$0x0], $0xffff  }
0x132: {  	v15 =	vld.idx.msk [tilespmem:v6+s5+$0x0], $0xffff  }
0x133: {  	v24 =	vld.idx.msk [tilespmem:v8+s5+$0x0], $0xffff  }
0x134: {  	v25 =	vld.idx.msk [tilespmem:v10+s5+$0x0], $0xffff  }
0x135: {  	v26 =	vld.idx.msk [tilespmem:v11+s5+$0x0], $0xffff  }
0x136: {  	v27 =	vld.idx.msk [tilespmem:v12+s5+$0x0], $0xffff  }
0x137: {  	s26 =	sshra.s32 s25, $0x2;
	v28 =	vld.idx.msk [tilespmem:v13+s5+$0x0], $0xffff;
	[tilespmem:s24+$0x1D7F0] =	vst v0  }
0x138: {  	v29 =	vld [tilespmem:s26+$0x1B700];
	[tilespmem:s24+$0x1D700] =	vst v14  }
0x139: {  	v0 =	vld [tilespmem:s26+$0x1B710];
	[tilespmem:s24+$0x1D710] =	vst v16  }
0x13a: {  	v1 =	vld [tilespmem:s26+$0x1B720];
	[tilespmem:s24+$0x1D720] =	vst v17  }
0x13b: {  	v2 =	vld [tilespmem:s26+$0x1B730];
	[tilespmem:s24+$0x1D730] =	vst v18  }
0x13c: {  	v3 =	vld [tilespmem:s26+$0x1B740];
	[tilespmem:s24+$0x1D740] =	vst v19  }
0x13d: {  	v4 =	vld [tilespmem:s26+$0x1B750];
	[tilespmem:s24+$0x1D750] =	vst v20  }
0x13e: {  	v5 =	vld [tilespmem:s26+$0x1B760];
	[tilespmem:s24+$0x1D760] =	vst v21  }
0x13f: {  	v7 =	vld [tilespmem:s26+$0x1B770];
	[tilespmem:s24+$0x1D770] =	vst v22  }
0x140: {  	v9 =	vld [tilespmem:s26+$0x1B780];
	[tilespmem:s24+$0x1D780] =	vst v23  }
0x141: {  	v6 =	vld [tilespmem:s26+$0x1B790];
	[tilespmem:s24+$0x1D790] =	vst v15  }
0x142: {  	v8 =	vld [tilespmem:s26+$0x1B7A0];
	[tilespmem:s24+$0x1D7A0] =	vst v24  }
0x143: {  	v10 =	vld [tilespmem:s26+$0x1B7B0];
	[tilespmem:s24+$0x1D7B0] =	vst v25  }
.Ltmp3:
0x144: {  	v11 =	vld [tilespmem:s26+$0x1B7C0];
	[tilespmem:s24+$0x1D7C0] =	vst v26;
	(pc) =	sbr.rel @p0 .LBB2_9-.Ltmp3, $4  }
0x145: {  	v12 =	vld [tilespmem:s26+$0x1B7D0];
	[tilespmem:s24+$0x1D7D0] =	vst v27  }
0x146: {  	v13 =	vld [tilespmem:s26+$0x1B7E0];
	[tilespmem:s24+$0x1D7E0] =	vst v28;
	s24 =	smov.u32 s26  }
0x147: {  	v15 =	vld [tilespmem:s24+$0x1B7F0]  }
0x148: {  	s25 =	sadd.s32 $0x400, s25;
	v14 =	vld.idx.msk [tilespmem:v29+s5+$0x0], $0xffff  }
0x149: {  	_ =	sdelay $0x3  }
0x14a: {  	v0 =	vld.idx.msk [tilespmem:v0+s5+$0x0], $0xffff  }
0x14b: {  	v1 =	vld.idx.msk [tilespmem:v1+s5+$0x0], $0xffff  }
0x14c: {  	v2 =	vld.idx.msk [tilespmem:v2+s5+$0x0], $0xffff  }
0x14d: {  	v3 =	vld.idx.msk [tilespmem:v3+s5+$0x0], $0xffff  }
0x14e: {  	v4 =	vld.idx.msk [tilespmem:v4+s5+$0x0], $0xffff  }
0x14f: {  	v5 =	vld.idx.msk [tilespmem:v5+s5+$0x0], $0xffff  }
0x150: {  	v7 =	vld.idx.msk [tilespmem:v7+s5+$0x0], $0xffff  }
0x151: {  	v9 =	vld.idx.msk [tilespmem:v9+s5+$0x0], $0xffff  }
0x152: {  	v6 =	vld.idx.msk [tilespmem:v6+s5+$0x0], $0xffff  }
0x153: {  	v8 =	vld.idx.msk [tilespmem:v8+s5+$0x0], $0xffff  }
0x154: {  	v10 =	vld.idx.msk [tilespmem:v10+s5+$0x0], $0xffff  }
0x155: {  	v11 =	vld.idx.msk [tilespmem:v11+s5+$0x0], $0xffff  }
0x156: {  	v12 =	vld.idx.msk [tilespmem:v12+s5+$0x0], $0xffff  }
0x157: {  	v13 =	vld.idx.msk [tilespmem:v13+s5+$0x0], $0xffff  }
0x158: {  	v15 =	vld.idx.msk [tilespmem:v15+s5+$0x0], $0xffff;
	[tilespmem:s24+$0x1D700] =	vst v14  }
0x159: {  	[tilespmem:s24+$0x1D710] =	vst v0  }
0x15a: {  	[tilespmem:s24+$0x1D720] =	vst v1  }
0x15b: {  	[tilespmem:s24+$0x1D730] =	vst v2  }
0x15c: {  	[tilespmem:s24+$0x1D740] =	vst v3  }
0x15d: {  	[tilespmem:s24+$0x1D750] =	vst v4  }
0x15e: {  	[tilespmem:s24+$0x1D760] =	vst v5  }
0x15f: {  	[tilespmem:s24+$0x1D770] =	vst v7  }
0x160: {  	[tilespmem:s24+$0x1D780] =	vst v9  }
0x161: {  	[tilespmem:s24+$0x1D790] =	vst v6  }
0x162: {  	[tilespmem:s24+$0x1D7A0] =	vst v8  }
0x163: {  	[tilespmem:s24+$0x1D7B0] =	vst v10  }
0x164: {  	[tilespmem:s24+$0x1D7C0] =	vst v11  }
0x165: {  	[tilespmem:s24+$0x1D7D0] =	vst v12  }
0x166: {  	p0 =	seq.s32 s21, $0x19;
	[tilespmem:s24+$0x1D7E0] =	vst v13  }
0x167: {  	s23 =	sadd.s32 s23, s10;
	s22 =	sadd.s32 @!p0 $0x1, s22;
	[tilespmem:s24+$0x1D7F0] =	vst v15  }
0x168: {  	[hbm4b:s23+s12] =	stream.strided.scatter [tilespmem:s16], [sflag:$0x2], $0x1000, s13, s12, $0x38;
	[tilespmem:$0x1E700] =	vst v63  }
0x169: {  	s24 =	sshrl.u32 @!p0 s22, $0x3;
	s23 =	sshrl.u32 @!p0 s22, $0x5  }
0x16a: {  	s24 =	sand.u32 @!p0 $0x3, s24;
	s23 =	smul.u32 @!p0 $0x30E000, s23  }
0x16b: {  	s24 =	smul.u32 @!p0 $0xC3800, s24  }
0x16c: {  	s22 =	sshll.u32 @!p0 s22, $0x7  }
0x16d: {  	s22 =	sand.u32 @!p0 $0x380, s22;
	s23 =	sadd.s32 @!p0 s23, s24  }
0x16e: {  	s22 =	sor.u32 @!p0 s22, s23  }
0x16f: {  	s21 =	sadd.s32 $0x1, s21;
	s25 =	simm.s32 @!p0 $0x0;
	s22 =	sshrl.u32 @!p0 s22, $0x3  }
0x170: {  	s24 =	simm.s32 @!p0 $0x400;
	s23 =	simm.s32 @!p0 $0x80;
	s22 =	sadd.s32 @!p0 s2, s22  }
0x171: {  	[tilespmem:s25], [sflag:$0x3] =	stream.strided.gather @!p0 [hbm4b:s22+s23], $0x18700, s24, s23, $0x38;
	[tilespmem:$0x1E700] =	vst v63  }
0x172: {  	p0 =	sne.s32 s21, $0x1A;
	_ =	swait.ge [sflag:s17], $0x1000  }
.Ltmp4:
0x173: {  	[sflag:s17] =	ssyncset.done $0x0;
	(pc) =	sbr.rel @p0 .LBB2_2-.Ltmp4, $4  }
0x174: {  	[sflag:s17] =	ssyncadd.s32 $0xFFFFF000  }
0x175: {  	_ =	swait.ge [sflag:s18], $0x1000  }
0x176: {  	[sflag:s18] =	ssyncset.done $0x0  }
0x177: {  	[sflag:s18] =	ssyncadd.s32 $0xFFFFF000  }
0x178: {  	s19 =	sadd.s32 $0x1, s19  }
0x179: {  	p0 =	sne.s32 s19, s11  }
.Ltmp5:
0x17a: {  	_ = 	snop;
	(pc) =	sbr.rel @p0 .LBB2_1-.Ltmp5, $1  }
0x17b: {  	_ =	sdelay $0x3  }
0x17c: {  	_ =	sfence.sel $0x180000  }
0x17d: {  	[bflag:$0x0] =	sbarrier.arrive $0xFFFF  }
0x17e: {  	p0 =	sne.s32 s0, $0x0;
	_ =	strace $0x90000047  }
0x17f: {  	s0 =	sadd.s32 @!p0 $0x100000, s3;
	[bflag:$0x2] =	sbarrier.arrive $0xFFFF  }
0x180: {  	[sflag:s0] =	ssyncadd.tile.s32 @!p0 $0x1;
	_ =	shalt  }
.Lfunc_end2:
_tile_overlayer_lowered:
.L_overlay_start_2:
0x181: {  	(tag) =	ssettag $0x2  }
0x182: {  	s0 =	rddreg [dreg:$0x0];
	s2 =	stileid.u32  }
0x183: {  	s1 =	rddreg [dreg:$0x1];
	p0 =	sne.s32 s2, $0x0  }
0x184: {  	s3 =	rddreg [dreg:$0x2];
	[bflag:$0x3] =	sbarrier.arrive $0xFFFF;
	s2 =	simm.s32 @!p0 $0x1C04  }
0x185: {  	[timem:s3], [sflag:s2] =	dma.local @!p0 [hbm:s0], s1  }
0x186: {  	s0 =	simm.s32 @!p0 $0x4  }
0x187: {  	_ =	swait.ge @!p0 [sflag:s0], s1  }
0x188: {  	s1 =	ssub.s32 @!p0 $0x0, s1;
	[sflag:s0] =	ssyncset.done @!p0 $0x0  }
0x189: {  	[sflag:s0] =	ssyncadd.s32 @!p0 s1  }
0x18a: {  	[bflag:$0x3] =	sbarrier.arrive $0xFFFF  }
0x18b: {  	_ =	shalt  }

</sc_bundles>
